<compile_context>
chip_gen: v7x
topology: tpu7x:2x2x1
jax: 0.10.2.dev20260603
libtpu: 0.0.44.dev20260713+nightly
codegen_flags: <defaults>
</compile_context>

<pallas_src>
import functools

import jax
import jax.numpy as jnp
from jax import lax
from jax.experimental import pallas as pl
from jax.experimental.pallas import tpu as pltpu
from jax.experimental.pallas import tpu_sc as plsc

D = 128
H = 4
DH = 32
B = 16
N = 65536
P = 32768
NQ = 3
CT = 2048
NSL = 2
PS = P // NSL
NB = PS // CT
NWORK = 32
ROWS_W = PS // NWORK
CH = 128
NST = ROWS_W // CH


def _mm(a, b):
    return lax.dot_general(a, b, (((1,), (0,)), ((), ())),
                           precision=lax.Precision.HIGHEST,
                           preferred_element_type=jnp.float32)


def _mmRT(a, b):
    return lax.dot_general(a, b, (((1,), (1,)), ((), ())),
                           precision=lax.Precision.HIGHEST,
                           preferred_element_type=jnp.float32)


def _mmd(a, b):
    return lax.dot_general(a, b, (((1,), (0,)), ((), ())),
                           preferred_element_type=jnp.float32)


def _mmTd(a, b):
    return lax.dot_general(a, b, (((0,), (0,)), ((), ())),
                           preferred_element_type=jnp.float32)


def _eye(n):
    r = lax.broadcasted_iota(jnp.int32, (n, n), 0)
    c = lax.broadcasted_iota(jnp.int32, (n, n), 1)
    return (r == c).astype(jnp.float32)


def _sc_rounds(table_hbm, pidx_hbm, out_hbm, idx2_v, rows0, rows1,
               g0, g1, s0, s1):
    c = lax.axis_index("c")
    s = lax.axis_index("s")
    wid = s * 2 + c
    base = wid * ROWS_W
    pltpu.sync_copy(pidx_hbm.at[pl.ds(wid * NST, NST)], idx2_v)
    bufs = (rows0, rows1)
    gsems = (g0, g1)
    ssems = (s0, s1)
    gh = [None] * NST
    sh = [None] * NST
    for st in range(NST):
        b = st % 2
        if st >= 2:
            sh[st - 2].wait()
        gh[st] = pltpu.async_copy(table_hbm.at[idx2_v.at[st]],
                                  bufs[b], gsems[b])
        if st >= 1:
            pb = (st - 1) % 2
            gh[st - 1].wait()
            sh[st - 1] = pltpu.async_copy(
                bufs[pb], out_hbm.at[pl.ds(base + (st - 1) * CH, CH)],
                ssems[pb])
    lb = (NST - 1) % 2
    gh[NST - 1].wait()
    sh[NST - 1] = pltpu.async_copy(
        bufs[lb], out_hbm.at[pl.ds(base + (NST - 1) * CH, CH)], ssems[lb])
    sh[NST - 2].wait()
    sh[NST - 1].wait()


_SC_SCRATCH = [pltpu.VMEM((NST, CH), jnp.int32),
               pltpu.VMEM((CH, D), jnp.float32),
               pltpu.VMEM((CH, D), jnp.float32),
               pltpu.SemaphoreType.DMA,
               pltpu.SemaphoreType.DMA,
               pltpu.SemaphoreType.DMA,
               pltpu.SemaphoreType.DMA]

_SC_MESH = plsc.VectorSubcoreMesh(core_axis_name="c", subcore_axis_name="s")


def _sc_gather_first(table, pidx2, tidx):

    @functools.partial(
        pl.kernel,
        out_type=[jax.ShapeDtypeStruct((PS, D), jnp.float32),
                  jax.ShapeDtypeStruct((B, D), jnp.float32)],
        mesh=_SC_MESH,
        scratch_types=_SC_SCRATCH + [pltpu.VMEM((B,), jnp.int32),
                                     pltpu.VMEM((B, D), jnp.float32)],
    )
    def k(table_hbm, pidx_hbm, tidx_hbm, out_hbm, tout_hbm,
          idx2_v, rows0, rows1, g0, g1, s0, s1, tidx_v, trows_v):
        c = lax.axis_index("c")
        s = lax.axis_index("s")
        wid = s * 2 + c

        @pl.when(wid == 0)
        def _():
            pltpu.sync_copy(tidx_hbm, tidx_v)
            pltpu.async_copy(table_hbm.at[tidx_v], trows_v, g0).wait()
            pltpu.sync_copy(trows_v, tout_hbm)

        _sc_rounds(table_hbm, pidx_hbm, out_hbm, idx2_v, rows0, rows1,
                   g0, g1, s0, s1)

    return k(table, pidx2, tidx)


def _sc_gather_slab(table, pidx2):

    @functools.partial(
        pl.kernel,
        out_type=jax.ShapeDtypeStruct((PS, D), jnp.float32),
        mesh=_SC_MESH,
        scratch_types=list(_SC_SCRATCH),
    )
    def k(table_hbm, pidx_hbm, out_hbm, idx2_v, rows0, rows1, g0, g1, s0, s1):
        _sc_rounds(table_hbm, pidx_hbm, out_hbm, idx2_v, rows0, rows1,
                   g0, g1, s0, s1)

    return k(table, pidx2)


def _build_G(seed, wq, wk, tgt, cwq, cwk):
    qflat = _mm(seed, wq)
    e_i = lax.broadcasted_iota(jnp.int32, (D, B * H), 0)
    j_i = lax.broadcasted_iota(jnp.int32, (D, B * H), 1)
    mhead = ((e_i // DH) == (j_i % H)).astype(jnp.float32)
    gl = _mm(wk * qflat, mhead)
    qt = _mm(tgt, cwq)
    qtT = _mmRT(_eye(D), qt)
    b_i = lax.broadcasted_iota(jnp.int32, (B, B * H), 0)
    j2_i = lax.broadcasted_iota(jnp.int32, (B, B * H), 1)
    rep = ((j2_i // H) == b_i).astype(jnp.float32)
    R = _mm(qtT, rep) * mhead
    gr = _mm(cwk, R)
    return jnp.concatenate([gl, gr], axis=1) * (1.0 / (DH ** 0.5))


def _chunk_update(gath, seg3, pw3, G, l, S):
    T = gath[...]
    segf = seg3[0].astype(jnp.float32)
    wrow = pw3[0] + 1e-8
    ones16 = jnp.ones((1, B), jnp.float32)
    segB16 = _mmTd(segf, ones16)
    wB16 = _mmTd(wrow, ones16)
    bi16 = lax.broadcasted_iota(jnp.int32, (CT, B), 1).astype(jnp.float32)
    wm = jnp.where(segB16 == bi16, wB16, 0.0)
    vb = lax.broadcasted_iota(jnp.int32, (B, D), 0)
    vj = lax.broadcasted_iota(jnp.int32, (B, D), 1)
    V = (((vj // H) % B) == vb).astype(jnp.float32)
    L = _mmd(T, G[...])
    e = _mmd(wm, V) * jnp.exp(L)
    l[...] = l[...] + jnp.sum(e, axis=0, keepdims=True)
    S[...] = S[...] + _mmTd(e, T)


def _tc_body1(gath, seg3, pw3, tgt, seed, wq, wk, cwq, cwk,
              lout, Sout, G, l, S):
    i = pl.program_id(0)

    @pl.when(i == 0)
    def _prologue():
        G[...] = _build_G(seed[...], wq[...], wk[...], tgt[...],
                          cwq[...], cwk[...])
        l[...] = jnp.zeros((1, D), jnp.float32)
        S[...] = jnp.zeros((D, D), jnp.float32)

    _chunk_update(gath, seg3, pw3, G, l, S)

    @pl.when(i == NB - 1)
    def _dump():
        lout[...] = l[...]
        Sout[...] = S[...]


def _tc_body2(gath, seg3, pw3, tgt, seed, wq, wk, wv, wo,
              cwq, cwk, cwv, cwo, lng, lnb, fw1, fb1, fw2, fb2,
              hw1, hb1, hw2, hb2, lin, Sin, out, G, l, S):
    i = pl.program_id(0)

    @pl.when(i == 0)
    def _prologue():
        G[...] = _build_G(seed[...], wq[...], wk[...], tgt[...],
                          cwq[...], cwk[...])
        l[...] = lin[...]
        S[...] = Sin[...]

    _chunk_update(gath, seg3, pw3, G, l, S)

    @pl.when(i == NB - 1)
    def _epilogue():
        lv = l[...]
        rinv = 1.0 / (lv + 1e-9)
        Sn = _mm(_eye(D) * rinv, S[...])
        Sn0 = Sn[0:B * H, :]
        Sn1 = Sn[B * H:2 * B * H, :]
        r64 = lax.broadcasted_iota(jnp.int32, (B * H, D), 0)
        d64 = lax.broadcasted_iota(jnp.int32, (B * H, D), 1)
        hmask = ((r64 % H) == (d64 // DH)).astype(jnp.float32)
        bb = lax.broadcasted_iota(jnp.int32, (B, B * H), 0)
        cc = lax.broadcasted_iota(jnp.int32, (B, B * H), 1)
        red = ((cc // H) == bb).astype(jnp.float32)
        ctx = _mm(red, _mm(Sn0, wv[...]) * hmask)
        contexts = _mm(ctx, wo[...])
        fus = _mm(red, _mm(Sn1, cwv[...]) * hmask)
        fusedmm = _mm(fus, cwo[...])
        bb16 = lax.broadcasted_iota(jnp.int32, (B, D), 0)
        jj16 = lax.broadcasted_iota(jnp.int32, (B, D), 1)
        sel = (jj16 == H * bb16).astype(jnp.float32)
        has16 = _mmRT(sel, lv)
        tg = tgt[...]
        fused = jnp.where(has16 > 0.0, fusedmm, tg)
        z = jnp.concatenate([tg, contexts, fused], axis=1)
        mu = jnp.mean(z, axis=1, keepdims=True)
        zc = z - mu
        var = jnp.mean(zc * zc, axis=1, keepdims=True)
        zn = zc / jnp.sqrt(var + 1e-5) * lng[...] + lnb[...]
        h1 = jnp.maximum(_mm(zn, fw1[...]) + fb1[...], 0.0)
        h2 = _mm(h1, fw2[...]) + fb2[...]
        o1 = jnp.maximum(_mm(h2, hw1[...]) + hb1[...], 0.0)
        out[...] = _mm(o1, hw2[...]) + hb2[...]


def _full(shape):
    return pl.BlockSpec(shape, lambda i: (0,) * len(shape))


_STREAM_SPECS = [
    pl.BlockSpec((CT, D), lambda i: (i, 0)),
    pl.BlockSpec((1, 1, CT), lambda i: (i, 0, 0)),
    pl.BlockSpec((1, 1, CT), lambda i: (i, 0, 0)),
]

_SCRATCH = [
    pltpu.VMEM((D, D), jnp.float32),
    pltpu.VMEM((1, D), jnp.float32),
    pltpu.VMEM((D, D), jnp.float32),
]


def _tc_pass1(g, seg3, pw3, targets, seed2, wq, wk, cwq, cwk):
    return pl.pallas_call(
        _tc_body1,
        grid=(NB,),
        in_specs=_STREAM_SPECS + [
            _full((B, D)), _full((1, D)),
            _full((D, D)), _full((D, D)), _full((D, D)), _full((D, D)),
        ],
        out_specs=[pl.BlockSpec((1, D), lambda i: (0, 0)),
                   pl.BlockSpec((D, D), lambda i: (0, 0))],
        out_shape=[jax.ShapeDtypeStruct((1, D), jnp.float32),
                   jax.ShapeDtypeStruct((D, D), jnp.float32)],
        scratch_shapes=list(_SCRATCH),
    )(g, seg3, pw3, targets, seed2, wq, wk, cwq, cwk)


def _tc_pass2(g, seg3, pw3, targets, seed2, wq, wk, wv, wo, cwq, cwk, cwv,
              cwo, lng, lnb, fw1, fb1, fw2, fb2, hw1, hb1, hw2, hb2,
              lin, Sin):
    return pl.pallas_call(
        _tc_body2,
        grid=(NB,),
        in_specs=_STREAM_SPECS + [
            _full((B, D)), _full((1, D)),
            _full((D, D)), _full((D, D)), _full((D, D)), _full((D, D)),
            _full((D, D)), _full((D, D)), _full((D, D)), _full((D, D)),
            _full((1, 3 * D)), _full((1, 3 * D)),
            _full((3 * D, D)), _full((1, D)),
            _full((D, D)), _full((1, D)),
            _full((D, 2 * D)), _full((1, 2 * D)),
            _full((2 * D, D)), _full((1, D)),
            _full((1, D)), _full((D, D)),
        ],
        out_specs=pl.BlockSpec((B, D), lambda i: (0, 0)),
        out_shape=jax.ShapeDtypeStruct((B, D), jnp.float32),
        scratch_shapes=list(_SCRATCH),
    )(g, seg3, pw3, targets, seed2, wq, wk, wv, wo, cwq, cwk, cwv, cwo,
      lng, lnb, fw1, fb1, fw2, fb2, hw1, hb1, hw2, hb2, lin, Sin)


def kernel(node_embeddings, target_index, port_index, port_batch,
           port_weight, pma_seed, pma_wq, pma_wk, pma_wv, pma_wo,
           ca_wq, ca_wk, ca_wv, ca_wo, ln_g, ln_b, f_w1, f_b1, f_w2, f_b2,
           h_w1, h_b1, h_w2, h_b2):
    pidx2 = port_index.reshape(NSL, NWORK * NST, CH)
    g0, targets = _sc_gather_first(node_embeddings, pidx2[0], target_index)
    g1 = _sc_gather_slab(node_embeddings, pidx2[1])
    seg4 = port_batch.reshape(NSL, NB, 1, CT)
    pw4 = port_weight.reshape(NSL, NB, 1, CT)
    seed2 = pma_seed.reshape(1, D)
    lng = ln_g.reshape(1, 3 * D)
    lnb = ln_b.reshape(1, 3 * D)
    fb1 = f_b1.reshape(1, D)
    fb2 = f_b2.reshape(1, D)
    hb1 = h_b1.reshape(1, 2 * D)
    h_w2p = jnp.pad(h_w2, ((0, 0), (0, D - NQ)))
    hb2p = jnp.pad(h_b2, (0, D - NQ)).reshape(1, D)
    l1, S1 = _tc_pass1(g0, seg4[0], pw4[0], targets, seed2,
                       pma_wq, pma_wk, ca_wq, ca_wk)
    out128 = _tc_pass2(g1, seg4[1], pw4[1], targets, seed2, pma_wq, pma_wk,
                       pma_wv, pma_wo, ca_wq, ca_wk, ca_wv, ca_wo, lng, lnb,
                       f_w1, fb1, f_w2, fb2, h_w1, hb1, h_w2p, hb2p, l1, S1)
    return out128[:, :NQ]

# --- scband reference (transcript-rebuilt; emitter-appended) ---
"""Pipeline reference for scband-liquidity-residual-backbone-3332894622338 (READ-ONLY COPY).

The authoritative reference and input builder live on the scoring server;
editing this copy changes nothing except your own understanding.
"""

import jax, jax.numpy as jnp
import numpy as np

D = 128; H = 4; DH = D // H; B = 16; N = 65536; P = 32768; NQ = 3

def _init(key, shape, scale=None):
    if scale is None:
        scale = 1.0 / np.sqrt(shape[0])
    return jax.random.normal(key, shape, dtype=jnp.float32) * scale

def setup_inputs(seed: int = 0):
    key = jax.random.key(seed)
    ks = jax.random.split(key, 32)
    inp = {}
    inp['node_embeddings'] = jax.random.normal(ks[0], (N, D), dtype=jnp.float32)
    inp['target_index'] = jax.random.randint(ks[1], (B,), 0, N, dtype=jnp.int32)
    inp['port_index'] = jax.random.randint(ks[2], (P,), 0, N, dtype=jnp.int32)
    inp['port_batch'] = jnp.sort(jax.random.randint(ks[3], (P,), 0, B, dtype=jnp.int32))
    inp['port_weight'] = jax.random.uniform(ks[4], (P,), dtype=jnp.float32, minval=0.01, maxval=1.0)
    inp['pma_seed'] = _init(ks[5], (D,), 0.02)
    inp['pma_wq'] = _init(ks[6], (D, D))
    inp['pma_wk'] = _init(ks[7], (D, D))
    inp['pma_wv'] = _init(ks[8], (D, D))
    inp['pma_wo'] = _init(ks[9], (D, D))
    inp['ca_wq'] = _init(ks[10], (D, D))
    inp['ca_wk'] = _init(ks[11], (D, D))
    inp['ca_wv'] = _init(ks[12], (D, D))
    inp['ca_wo'] = _init(ks[13], (D, D))
    inp['ln_g'] = jnp.ones((3 * D,), dtype=jnp.float32)
    inp['ln_b'] = jnp.zeros((3 * D,), dtype=jnp.float32)
    inp['f_w1'] = _init(ks[14], (3 * D, D))
    inp['f_b1'] = jnp.zeros((D,), dtype=jnp.float32)
    inp['f_w2'] = _init(ks[15], (D, D))
    inp['f_b2'] = jnp.zeros((D,), dtype=jnp.float32)
    inp['h_w1'] = _init(ks[16], (D, 256))
    inp['h_b1'] = jnp.zeros((256,), dtype=jnp.float32)
    inp['h_w2'] = _init(ks[17], (256, NQ))
    inp['h_b2'] = jnp.zeros((NQ,), dtype=jnp.float32)
    return inp

def _segment_softmax(logits, seg, num):
    m = jax.ops.segment_max(logits, seg, num_segments=num)
    m = jnp.where(jnp.isfinite(m), m, 0.0)
    e = jnp.exp(logits - m[seg])
    den = jax.ops.segment_sum(e, seg, num_segments=num)
    return e / (den[seg] + 1e-9)

def _forward(node_embeddings, port_weight, params, target_index, port_index, port_batch):
    (pma_seed, pma_wq, pma_wk, pma_wv, pma_wo,
     ca_wq, ca_wk, ca_wv, ca_wo,
     ln_g, ln_b, f_w1, f_b1, f_w2, f_b2,
     h_w1, h_b1, h_w2, h_b2) = params
    targets = node_embeddings[target_index]
    tokens = node_embeddings[port_index]
    logw = jnp.log(port_weight + 1e-8)
    count = jax.ops.segment_sum(jnp.ones((P,), jnp.float32), port_batch, num_segments=B)
    has_tok = (count > 0)[:, None]
    # PMA pooling: learned seed attends over DV01-weighted portfolio tokens (per basket)
    q = (pma_seed @ pma_wq).reshape(H, DH)
    k = (tokens @ pma_wk).reshape(P, H, DH)
    v = (tokens @ pma_wv).reshape(P, H, DH)
    logits = jnp.einsum('hd,phd->ph', q, k) / jnp.sqrt(DH) + logw[:, None]
    attn = _segment_softmax(logits, port_batch, B)
    ctx = jax.ops.segment_sum(attn[:, :, None] * v, port_batch, num_segments=B).reshape(B, D)
    contexts = jnp.where(has_tok, ctx @ pma_wo, 0.0)
    # Target -> portfolio cross-attention (per basket)
    qt = (targets @ ca_wq).reshape(B, H, DH)
    kc = (tokens @ ca_wk).reshape(P, H, DH)
    vc = (tokens @ ca_wv).reshape(P, H, DH)
    logits2 = jnp.sum(qt[port_batch] * kc, axis=-1) / jnp.sqrt(DH) + logw[:, None]
    attn2 = _segment_softmax(logits2, port_batch, B)
    fus = jax.ops.segment_sum(attn2[:, :, None] * vc, port_batch, num_segments=B).reshape(B, D)
    fused = jnp.where(has_tok, fus @ ca_wo, targets)
    # Fuse [target, context, fused], LayerNorm, MLP, quantile heads
    z = jnp.concatenate([targets, contexts, fused], axis=-1)
    mu = jnp.mean(z, axis=-1, keepdims=True)
    var = jnp.var(z, axis=-1, keepdims=True)
    z = (z - mu) / jnp.sqrt(var + 1e-5) * ln_g + ln_b
    h = jnp.maximum(z @ f_w1 + f_b1, 0.0) @ f_w2 + f_b2
    out = jnp.maximum(h @ h_w1 + h_b1, 0.0) @ h_w2 + h_b2
    return out

def reference(node_embeddings, target_index, port_index, port_batch, port_weight, pma_seed, pma_wq, pma_wk, pma_wv, pma_wo, ca_wq, ca_wk, ca_wv, ca_wo, ln_g, ln_b, f_w1, f_b1, f_w2, f_b2, h_w1, h_b1, h_w2, h_b2):
    params = (pma_seed, pma_wq, pma_wk, pma_wv, pma_wo, ca_wq, ca_wk, ca_wv, ca_wo, ln_g, ln_b, f_w1, f_b1, f_w2, f_b2, h_w1, h_b1, h_w2, h_b2)
    return _forward(node_embeddings, port_weight, params, target_index, port_index, port_batch)

if __name__ == "__main__":
    import jax
    _d = setup_inputs()
    print(jax.jit(kernel)(*tuple(_d.values())))

</pallas_src>

<mosaic_0001>
#map = affine_map<(d0, d1) -> (0, 0)>
module attributes {stable_mosaic.version = 14 : i64} {
  func.func @k(%arg0: i32, %arg1: i32, %arg2: memref<65536x128xf32, #tpu.memory_space<hbm>>, %arg3: memref<128x128xi32, #tpu.memory_space<hbm>>, %arg4: memref<16384x128xf32, #tpu.memory_space<hbm>>, %arg5: memref<4x128xi32, #tpu.memory_space<vmem>>, %arg6: memref<128x128xf32, #tpu.memory_space<vmem>>, %arg7: memref<128x128xf32, #tpu.memory_space<vmem>>, %arg8: memref<!tpu.dma_semaphore, #tpu.memory_space<semaphore_mem>>, %arg9: memref<!tpu.dma_semaphore, #tpu.memory_space<semaphore_mem>>, %arg10: memref<!tpu.dma_semaphore, #tpu.memory_space<semaphore_mem>>, %arg11: memref<!tpu.dma_semaphore, #tpu.memory_space<semaphore_mem>>) attributes {dimension_semantics = [#tpu.dimension_semantics<core_parallel>, #tpu.dimension_semantics<subcore_parallel>], iteration_bounds = array<i64: 2, 16>, scalar_prefetch = 0 : i64, scratch_operands = 7 : i64, tpu.core_type = #tpu.core_type<sc_vector_subcore>, window_params = [{transform_indices = #map}, {transform_indices = #map}, {transform_indices = #map}]} {
    %mul3A = arith.constant 2 : i32
    %mul3A_0 = arith.muli %arg1, %mul3A : i32
    %add3A = arith.addi %mul3A_0, %arg0 : i32
    %mul3A_1 = arith.constant 512 : i32
    %mul3A_2 = arith.muli %add3A, %mul3A_1 : i32
    %mul3A_3 = arith.constant 4 : i32
    %mul3A_4 = arith.muli %add3A, %mul3A_3 : i32
    "tpu.region"() ({
      %run_scoped3A = tpu.sem_alloc : memref<!tpu.dma_semaphore, #tpu.memory_space<semaphore_mem>>
      %dma_start3A_99 = arith.constant 0 : i32
      %dma_start3A_100 = tpu.memref_slice %arg3[%mul3A_4, %dma_start3A_99] : memref<128x128xi32, #tpu.memory_space<hbm>> -> memref<4x128xi32, #tpu.memory_space<hbm>>
      %dma_start3A_101 = arith.constant 0 : i32
      %dma_start3A_102 = tpu.memref_slice %arg3[%mul3A_4, %dma_start3A_101] : memref<128x128xi32, #tpu.memory_space<hbm>> -> memref<4x128xi32, #tpu.memory_space<hbm>>
      tpu.enqueue_dma source(%dma_start3A_102 : memref<4x128xi32, #tpu.memory_space<hbm>>) target(%arg5 : memref<4x128xi32, #tpu.memory_space<vmem>>) target_semaphore(%run_scoped3A : memref<!tpu.dma_semaphore, #tpu.memory_space<semaphore_mem>>)
      %dma_wait3A_103 = arith.constant 0 : i32
      %dma_wait3A_104 = tpu.memref_slice %arg3[%mul3A_4, %dma_wait3A_103] : memref<128x128xi32, #tpu.memory_space<hbm>> -> memref<4x128xi32, #tpu.memory_space<hbm>>
      %dma_wait3A_105 = arith.constant 0 : i32
      %dma_wait3A_106 = tpu.memref_slice %arg3[%mul3A_4, %dma_wait3A_105] : memref<128x128xi32, #tpu.memory_space<hbm>> -> memref<4x128xi32, #tpu.memory_space<hbm>>
      tpu.wait_dma2 semaphore(%run_scoped3A : memref<!tpu.dma_semaphore, #tpu.memory_space<semaphore_mem>>) src(%dma_wait3A_106 : memref<4x128xi32, #tpu.memory_space<hbm>>) dst(%arg5 : memref<4x128xi32, #tpu.memory_space<vmem>>)
      tpu.yield
    }) : () -> ()
    %dma_start3A = arith.constant 0 : i32
    %dma_start3A_5 = arith.constant 0 : i32
    %dma_start3A_6 = tpu.memref_slice %arg5[%dma_start3A, %dma_start3A_5] : memref<4x128xi32, #tpu.memory_space<vmem>> -> memref<1x128xi32, #tpu.memory_space<vmem>>
    %dma_start3A_7 = tpu.memref_squeeze %dma_start3A_6 : memref<1x128xi32, #tpu.memory_space<vmem>> -> memref<128xi32, #tpu.memory_space<vmem>>
    %dma_start3A_8 = arith.constant 0 : i32
    %dma_start3A_9 = arith.constant 0 : i32
    %dma_start3A_10 = tpu.memref_slice %arg2[%dma_start3A_8, %dma_start3A_9] : memref<65536x128xf32, #tpu.memory_space<hbm>> -> memref<65536x128xf32, #tpu.memory_space<hbm>>
    tpu.enqueue_indirect_dma source(%dma_start3A_10 : memref<65536x128xf32, #tpu.memory_space<hbm>>) target(%arg6 : memref<128x128xf32, #tpu.memory_space<vmem>>) offsets(%dma_start3A_7 : memref<128xi32, #tpu.memory_space<vmem>>) semaphore(%arg8 : memref<!tpu.dma_semaphore, #tpu.memory_space<semaphore_mem>>)
    %dma_start3A_11 = arith.constant 1 : i32
    %dma_start3A_12 = arith.constant 0 : i32
    %dma_start3A_13 = tpu.memref_slice %arg5[%dma_start3A_11, %dma_start3A_12] : memref<4x128xi32, #tpu.memory_space<vmem>> -> memref<1x128xi32, #tpu.memory_space<vmem>>
    %dma_start3A_14 = tpu.memref_squeeze %dma_start3A_13 : memref<1x128xi32, #tpu.memory_space<vmem>> -> memref<128xi32, #tpu.memory_space<vmem>>
    %dma_start3A_15 = arith.constant 0 : i32
    %dma_start3A_16 = arith.constant 0 : i32
    %dma_start3A_17 = tpu.memref_slice %arg2[%dma_start3A_15, %dma_start3A_16] : memref<65536x128xf32, #tpu.memory_space<hbm>> -> memref<65536x128xf32, #tpu.memory_space<hbm>>
    tpu.enqueue_indirect_dma source(%dma_start3A_17 : memref<65536x128xf32, #tpu.memory_space<hbm>>) target(%arg7 : memref<128x128xf32, #tpu.memory_space<vmem>>) offsets(%dma_start3A_14 : memref<128xi32, #tpu.memory_space<vmem>>) semaphore(%arg9 : memref<!tpu.dma_semaphore, #tpu.memory_space<semaphore_mem>>)
    %dma_wait3A = arith.constant 0 : i32
    %dma_wait3A_18 = arith.constant 0 : i32
    %dma_wait3A_19 = tpu.memref_slice %arg5[%dma_wait3A, %dma_wait3A_18] : memref<4x128xi32, #tpu.memory_space<vmem>> -> memref<1x128xi32, #tpu.memory_space<vmem>>
    %dma_wait3A_20 = tpu.memref_squeeze %dma_wait3A_19 : memref<1x128xi32, #tpu.memory_space<vmem>> -> memref<128xi32, #tpu.memory_space<vmem>>
    %dma_wait3A_21 = arith.constant 0 : i32
    %dma_wait3A_22 = arith.constant 0 : i32
    %dma_wait3A_23 = tpu.memref_slice %arg2[%dma_wait3A_21, %dma_wait3A_22] : memref<65536x128xf32, #tpu.memory_space<hbm>> -> memref<65536x128xf32, #tpu.memory_space<hbm>>
    tpu.wait_indirect_dma semaphore(%arg8 : memref<!tpu.dma_semaphore, #tpu.memory_space<semaphore_mem>>) src(%dma_wait3A_23 : memref<65536x128xf32, #tpu.memory_space<hbm>>) dst(%arg6 : memref<128x128xf32, #tpu.memory_space<vmem>>)
    %add3A_24 = arith.constant 0 : i32
    %add3A_25 = arith.addi %mul3A_2, %add3A_24 : i32
    %dma_start3A_26 = arith.constant 0 : i32
    %dma_start3A_27 = tpu.memref_slice %arg4[%add3A_25, %dma_start3A_26] : memref<16384x128xf32, #tpu.memory_space<hbm>> -> memref<128x128xf32, #tpu.memory_space<hbm>>
    %dma_start3A_28 = arith.constant 0 : i32
    %dma_start3A_29 = tpu.memref_slice %arg4[%add3A_25, %dma_start3A_28] : memref<16384x128xf32, #tpu.memory_space<hbm>> -> memref<128x128xf32, #tpu.memory_space<hbm>>
    tpu.enqueue_dma source(%arg6 : memref<128x128xf32, #tpu.memory_space<vmem>>) target(%dma_start3A_29 : memref<128x128xf32, #tpu.memory_space<hbm>>) target_semaphore(%arg10 : memref<!tpu.dma_semaphore, #tpu.memory_space<semaphore_mem>>)
    %dma_wait3A_30 = arith.constant 0 : i32
    %dma_wait3A_31 = tpu.memref_slice %arg4[%add3A_25, %dma_wait3A_30] : memref<16384x128xf32, #tpu.memory_space<hbm>> -> memref<128x128xf32, #tpu.memory_space<hbm>>
    %dma_wait3A_32 = arith.constant 0 : i32
    %dma_wait3A_33 = tpu.memref_slice %arg4[%add3A_25, %dma_wait3A_32] : memref<16384x128xf32, #tpu.memory_space<hbm>> -> memref<128x128xf32, #tpu.memory_space<hbm>>
    tpu.wait_dma2 semaphore(%arg10 : memref<!tpu.dma_semaphore, #tpu.memory_space<semaphore_mem>>) src(%arg6 : memref<128x128xf32, #tpu.memory_space<vmem>>) dst(%dma_wait3A_33 : memref<128x128xf32, #tpu.memory_space<hbm>>)
    %dma_start3A_34 = arith.constant 2 : i32
    %dma_start3A_35 = arith.constant 0 : i32
    %dma_start3A_36 = tpu.memref_slice %arg5[%dma_start3A_34, %dma_start3A_35] : memref<4x128xi32, #tpu.memory_space<vmem>> -> memref<1x128xi32, #tpu.memory_space<vmem>>
    %dma_start3A_37 = tpu.memref_squeeze %dma_start3A_36 : memref<1x128xi32, #tpu.memory_space<vmem>> -> memref<128xi32, #tpu.memory_space<vmem>>
    %dma_start3A_38 = arith.constant 0 : i32
    %dma_start3A_39 = arith.constant 0 : i32
    %dma_start3A_40 = tpu.memref_slice %arg2[%dma_start3A_38, %dma_start3A_39] : memref<65536x128xf32, #tpu.memory_space<hbm>> -> memref<65536x128xf32, #tpu.memory_space<hbm>>
    tpu.enqueue_indirect_dma source(%dma_start3A_40 : memref<65536x128xf32, #tpu.memory_space<hbm>>) target(%arg6 : memref<128x128xf32, #tpu.memory_space<vmem>>) offsets(%dma_start3A_37 : memref<128xi32, #tpu.memory_space<vmem>>) semaphore(%arg8 : memref<!tpu.dma_semaphore, #tpu.memory_space<semaphore_mem>>)
    %dma_wait3A_41 = arith.constant 1 : i32
    %dma_wait3A_42 = arith.constant 0 : i32
    %dma_wait3A_43 = tpu.memref_slice %arg5[%dma_wait3A_41, %dma_wait3A_42] : memref<4x128xi32, #tpu.memory_space<vmem>> -> memref<1x128xi32, #tpu.memory_space<vmem>>
    %dma_wait3A_44 = tpu.memref_squeeze %dma_wait3A_43 : memref<1x128xi32, #tpu.memory_space<vmem>> -> memref<128xi32, #tpu.memory_space<vmem>>
    %dma_wait3A_45 = arith.constant 0 : i32
    %dma_wait3A_46 = arith.constant 0 : i32
    %dma_wait3A_47 = tpu.memref_slice %arg2[%dma_wait3A_45, %dma_wait3A_46] : memref<65536x128xf32, #tpu.memory_space<hbm>> -> memref<65536x128xf32, #tpu.memory_space<hbm>>
    tpu.wait_indirect_dma semaphore(%arg9 : memref<!tpu.dma_semaphore, #tpu.memory_space<semaphore_mem>>) src(%dma_wait3A_47 : memref<65536x128xf32, #tpu.memory_space<hbm>>) dst(%arg7 : memref<128x128xf32, #tpu.memory_space<vmem>>)
    %add3A_48 = arith.constant 128 : i32
    %add3A_49 = arith.addi %mul3A_2, %add3A_48 : i32
    %dma_start3A_50 = arith.constant 0 : i32
    %dma_start3A_51 = tpu.memref_slice %arg4[%add3A_49, %dma_start3A_50] : memref<16384x128xf32, #tpu.memory_space<hbm>> -> memref<128x128xf32, #tpu.memory_space<hbm>>
    %dma_start3A_52 = arith.constant 0 : i32
    %dma_start3A_53 = tpu.memref_slice %arg4[%add3A_49, %dma_start3A_52] : memref<16384x128xf32, #tpu.memory_space<hbm>> -> memref<128x128xf32, #tpu.memory_space<hbm>>
    tpu.enqueue_dma source(%arg7 : memref<128x128xf32, #tpu.memory_space<vmem>>) target(%dma_start3A_53 : memref<128x128xf32, #tpu.memory_space<hbm>>) target_semaphore(%arg11 : memref<!tpu.dma_semaphore, #tpu.memory_space<semaphore_mem>>)
    %dma_wait3A_54 = arith.constant 0 : i32
    %dma_wait3A_55 = tpu.memref_slice %arg4[%add3A_49, %dma_wait3A_54] : memref<16384x128xf32, #tpu.memory_space<hbm>> -> memref<128x128xf32, #tpu.memory_space<hbm>>
    %dma_wait3A_56 = arith.constant 0 : i32
    %dma_wait3A_57 = tpu.memref_slice %arg4[%add3A_49, %dma_wait3A_56] : memref<16384x128xf32, #tpu.memory_space<hbm>> -> memref<128x128xf32, #tpu.memory_space<hbm>>
    tpu.wait_dma2 semaphore(%arg11 : memref<!tpu.dma_semaphore, #tpu.memory_space<semaphore_mem>>) src(%arg7 : memref<128x128xf32, #tpu.memory_space<vmem>>) dst(%dma_wait3A_57 : memref<128x128xf32, #tpu.memory_space<hbm>>)
    %dma_start3A_58 = arith.constant 3 : i32
    %dma_start3A_59 = arith.constant 0 : i32
    %dma_start3A_60 = tpu.memref_slice %arg5[%dma_start3A_58, %dma_start3A_59] : memref<4x128xi32, #tpu.memory_space<vmem>> -> memref<1x128xi32, #tpu.memory_space<vmem>>
    %dma_start3A_61 = tpu.memref_squeeze %dma_start3A_60 : memref<1x128xi32, #tpu.memory_space<vmem>> -> memref<128xi32, #tpu.memory_space<vmem>>
    %dma_start3A_62 = arith.constant 0 : i32
    %dma_start3A_63 = arith.constant 0 : i32
    %dma_start3A_64 = tpu.memref_slice %arg2[%dma_start3A_62, %dma_start3A_63] : memref<65536x128xf32, #tpu.memory_space<hbm>> -> memref<65536x128xf32, #tpu.memory_space<hbm>>
    tpu.enqueue_indirect_dma source(%dma_start3A_64 : memref<65536x128xf32, #tpu.memory_space<hbm>>) target(%arg7 : memref<128x128xf32, #tpu.memory_space<vmem>>) offsets(%dma_start3A_61 : memref<128xi32, #tpu.memory_space<vmem>>) semaphore(%arg9 : memref<!tpu.dma_semaphore, #tpu.memory_space<semaphore_mem>>)
    %dma_wait3A_65 = arith.constant 2 : i32
    %dma_wait3A_66 = arith.constant 0 : i32
    %dma_wait3A_67 = tpu.memref_slice %arg5[%dma_wait3A_65, %dma_wait3A_66] : memref<4x128xi32, #tpu.memory_space<vmem>> -> memref<1x128xi32, #tpu.memory_space<vmem>>
    %dma_wait3A_68 = tpu.memref_squeeze %dma_wait3A_67 : memref<1x128xi32, #tpu.memory_space<vmem>> -> memref<128xi32, #tpu.memory_space<vmem>>
    %dma_wait3A_69 = arith.constant 0 : i32
    %dma_wait3A_70 = arith.constant 0 : i32
    %dma_wait3A_71 = tpu.memref_slice %arg2[%dma_wait3A_69, %dma_wait3A_70] : memref<65536x128xf32, #tpu.memory_space<hbm>> -> memref<65536x128xf32, #tpu.memory_space<hbm>>
    tpu.wait_indirect_dma semaphore(%arg8 : memref<!tpu.dma_semaphore, #tpu.memory_space<semaphore_mem>>) src(%dma_wait3A_71 : memref<65536x128xf32, #tpu.memory_space<hbm>>) dst(%arg6 : memref<128x128xf32, #tpu.memory_space<vmem>>)
    %add3A_72 = arith.constant 256 : i32
    %add3A_73 = arith.addi %mul3A_2, %add3A_72 : i32
    %dma_start3A_74 = arith.constant 0 : i32
    %dma_start3A_75 = tpu.memref_slice %arg4[%add3A_73, %dma_start3A_74] : memref<16384x128xf32, #tpu.memory_space<hbm>> -> memref<128x128xf32, #tpu.memory_space<hbm>>
    %dma_start3A_76 = arith.constant 0 : i32
    %dma_start3A_77 = tpu.memref_slice %arg4[%add3A_73, %dma_start3A_76] : memref<16384x128xf32, #tpu.memory_space<hbm>> -> memref<128x128xf32, #tpu.memory_space<hbm>>
    tpu.enqueue_dma source(%arg6 : memref<128x128xf32, #tpu.memory_space<vmem>>) target(%dma_start3A_77 : memref<128x128xf32, #tpu.memory_space<hbm>>) target_semaphore(%arg10 : memref<!tpu.dma_semaphore, #tpu.memory_space<semaphore_mem>>)
    %dma_wait3A_78 = arith.constant 3 : i32
    %dma_wait3A_79 = arith.constant 0 : i32
    %dma_wait3A_80 = tpu.memref_slice %arg5[%dma_wait3A_78, %dma_wait3A_79] : memref<4x128xi32, #tpu.memory_space<vmem>> -> memref<1x128xi32, #tpu.memory_space<vmem>>
    %dma_wait3A_81 = tpu.memref_squeeze %dma_wait3A_80 : memref<1x128xi32, #tpu.memory_space<vmem>> -> memref<128xi32, #tpu.memory_space<vmem>>
    %dma_wait3A_82 = arith.constant 0 : i32
    %dma_wait3A_83 = arith.constant 0 : i32
    %dma_wait3A_84 = tpu.memref_slice %arg2[%dma_wait3A_82, %dma_wait3A_83] : memref<65536x128xf32, #tpu.memory_space<hbm>> -> memref<65536x128xf32, #tpu.memory_space<hbm>>
    tpu.wait_indirect_dma semaphore(%arg9 : memref<!tpu.dma_semaphore, #tpu.memory_space<semaphore_mem>>) src(%dma_wait3A_84 : memref<65536x128xf32, #tpu.memory_space<hbm>>) dst(%arg7 : memref<128x128xf32, #tpu.memory_space<vmem>>)
    %add3A_85 = arith.constant 384 : i32
    %add3A_86 = arith.addi %mul3A_2, %add3A_85 : i32
    %dma_start3A_87 = arith.constant 0 : i32
    %dma_start3A_88 = tpu.memref_slice %arg4[%add3A_86, %dma_start3A_87] : memref<16384x128xf32, #tpu.memory_space<hbm>> -> memref<128x128xf32, #tpu.memory_space<hbm>>
    %dma_start3A_89 = arith.constant 0 : i32
    %dma_start3A_90 = tpu.memref_slice %arg4[%add3A_86, %dma_start3A_89] : memref<16384x128xf32, #tpu.memory_space<hbm>> -> memref<128x128xf32, #tpu.memory_space<hbm>>
    tpu.enqueue_dma source(%arg7 : memref<128x128xf32, #tpu.memory_space<vmem>>) target(%dma_start3A_90 : memref<128x128xf32, #tpu.memory_space<hbm>>) target_semaphore(%arg11 : memref<!tpu.dma_semaphore, #tpu.memory_space<semaphore_mem>>)
    %dma_wait3A_91 = arith.constant 0 : i32
    %dma_wait3A_92 = tpu.memref_slice %arg4[%add3A_73, %dma_wait3A_91] : memref<16384x128xf32, #tpu.memory_space<hbm>> -> memref<128x128xf32, #tpu.memory_space<hbm>>
    %dma_wait3A_93 = arith.constant 0 : i32
    %dma_wait3A_94 = tpu.memref_slice %arg4[%add3A_73, %dma_wait3A_93] : memref<16384x128xf32, #tpu.memory_space<hbm>> -> memref<128x128xf32, #tpu.memory_space<hbm>>
    tpu.wait_dma2 semaphore(%arg10 : memref<!tpu.dma_semaphore, #tpu.memory_space<semaphore_mem>>) src(%arg6 : memref<128x128xf32, #tpu.memory_space<vmem>>) dst(%dma_wait3A_94 : memref<128x128xf32, #tpu.memory_space<hbm>>)
    %dma_wait3A_95 = arith.constant 0 : i32
    %dma_wait3A_96 = tpu.memref_slice %arg4[%add3A_86, %dma_wait3A_95] : memref<16384x128xf32, #tpu.memory_space<hbm>> -> memref<128x128xf32, #tpu.memory_space<hbm>>
    %dma_wait3A_97 = arith.constant 0 : i32
    %dma_wait3A_98 = tpu.memref_slice %arg4[%add3A_86, %dma_wait3A_97] : memref<16384x128xf32, #tpu.memory_space<hbm>> -> memref<128x128xf32, #tpu.memory_space<hbm>>
    tpu.wait_dma2 semaphore(%arg11 : memref<!tpu.dma_semaphore, #tpu.memory_space<semaphore_mem>>) src(%arg7 : memref<128x128xf32, #tpu.memory_space<vmem>>) dst(%dma_wait3A_98 : memref<128x128xf32, #tpu.memory_space<hbm>>)
    return
  }
}

#map = affine_map<(d0, d1) -> (0, 0)>
#map1 = affine_map<(d0, d1) -> (0)>
module attributes {stable_mosaic.version = 14 : i64} {
  func.func @k(%arg0: i32, %arg1: i32, %arg2: memref<65536x128xf32, #tpu.memory_space<hbm>>, %arg3: memref<128x128xi32, #tpu.memory_space<hbm>>, %arg4: memref<16xi32, #tpu.memory_space<hbm>>, %arg5: memref<16384x128xf32, #tpu.memory_space<hbm>>, %arg6: memref<16x128xf32, #tpu.memory_space<hbm>>, %arg7: memref<4x128xi32, #tpu.memory_space<vmem>>, %arg8: memref<128x128xf32, #tpu.memory_space<vmem>>, %arg9: memref<128x128xf32, #tpu.memory_space<vmem>>, %arg10: memref<!tpu.dma_semaphore, #tpu.memory_space<semaphore_mem>>, %arg11: memref<!tpu.dma_semaphore, #tpu.memory_space<semaphore_mem>>, %arg12: memref<!tpu.dma_semaphore, #tpu.memory_space<semaphore_mem>>, %arg13: memref<!tpu.dma_semaphore, #tpu.memory_space<semaphore_mem>>, %arg14: memref<16xi32, #tpu.memory_space<vmem>>, %arg15: memref<16x128xf32, #tpu.memory_space<vmem>>) attributes {dimension_semantics = [#tpu.dimension_semantics<core_parallel>, #tpu.dimension_semantics<subcore_parallel>], iteration_bounds = array<i64: 2, 16>, scalar_prefetch = 0 : i64, scratch_operands = 9 : i64, tpu.core_type = #tpu.core_type<sc_vector_subcore>, window_params = [{transform_indices = #map}, {transform_indices = #map}, {transform_indices = #map1}, {transform_indices = #map}, {transform_indices = #map}]} {
    %mul3A = arith.constant 2 : i32
    %mul3A_0 = arith.muli %arg1, %mul3A : i32
    %add3A = arith.addi %mul3A_0, %arg0 : i32
    %eq3A = arith.constant 0 : i32
    %eq3A_1 = arith.cmpi eq, %add3A, %eq3A : i32
    %convert_element_type3A = arith.extui %eq3A_1 : i1 to i32
    %cond3A = arith.constant 0 : i32
    %cond3A_2 = arith.cmpi ne, %convert_element_type3A, %cond3A : i32
    scf.if %cond3A_2 {
      "tpu.region"() ({
        %run_scoped3A = tpu.sem_alloc : memref<!tpu.dma_semaphore, #tpu.memory_space<semaphore_mem>>
        tpu.enqueue_dma source(%arg4 : memref<16xi32, #tpu.memory_space<hbm>>) target(%arg14 : memref<16xi32, #tpu.memory_space<vmem>>) target_semaphore(%run_scoped3A : memref<!tpu.dma_semaphore, #tpu.memory_space<semaphore_mem>>)
        tpu.wait_dma2 semaphore(%run_scoped3A : memref<!tpu.dma_semaphore, #tpu.memory_space<semaphore_mem>>) src(%arg4 : memref<16xi32, #tpu.memory_space<hbm>>) dst(%arg14 : memref<16xi32, #tpu.memory_space<vmem>>)
        tpu.yield
      }) : () -> ()
      %dma_start3A_104 = arith.constant 0 : i32
      %dma_start3A_105 = arith.constant 0 : i32
      %dma_start3A_106 = tpu.memref_slice %arg2[%dma_start3A_104, %dma_start3A_105] : memref<65536x128xf32, #tpu.memory_space<hbm>> -> memref<65536x128xf32, #tpu.memory_space<hbm>>
      tpu.enqueue_indirect_dma source(%dma_start3A_106 : memref<65536x128xf32, #tpu.memory_space<hbm>>) target(%arg15 : memref<16x128xf32, #tpu.memory_space<vmem>>) offsets(%arg14 : memref<16xi32, #tpu.memory_space<vmem>>) semaphore(%arg10 : memref<!tpu.dma_semaphore, #tpu.memory_space<semaphore_mem>>)
      %dma_wait3A_107 = arith.constant 0 : i32
      %dma_wait3A_108 = arith.constant 0 : i32
      %dma_wait3A_109 = tpu.memref_slice %arg2[%dma_wait3A_107, %dma_wait3A_108] : memref<65536x128xf32, #tpu.memory_space<hbm>> -> memref<65536x128xf32, #tpu.memory_space<hbm>>
      tpu.wait_indirect_dma semaphore(%arg10 : memref<!tpu.dma_semaphore, #tpu.memory_space<semaphore_mem>>) src(%dma_wait3A_109 : memref<65536x128xf32, #tpu.memory_space<hbm>>) dst(%arg15 : memref<16x128xf32, #tpu.memory_space<vmem>>)
      "tpu.region"() ({
        %run_scoped3A = tpu.sem_alloc : memref<!tpu.dma_semaphore, #tpu.memory_space<semaphore_mem>>
        tpu.enqueue_dma source(%arg15 : memref<16x128xf32, #tpu.memory_space<vmem>>) target(%arg6 : memref<16x128xf32, #tpu.memory_space<hbm>>) target_semaphore(%run_scoped3A : memref<!tpu.dma_semaphore, #tpu.memory_space<semaphore_mem>>)
        tpu.wait_dma2 semaphore(%run_scoped3A : memref<!tpu.dma_semaphore, #tpu.memory_space<semaphore_mem>>) src(%arg15 : memref<16x128xf32, #tpu.memory_space<vmem>>) dst(%arg6 : memref<16x128xf32, #tpu.memory_space<hbm>>)
        tpu.yield
      }) : () -> ()
    } else {
    }
    %mul3A_3 = arith.constant 2 : i32
    %mul3A_4 = arith.muli %arg1, %mul3A_3 : i32
    %add3A_5 = arith.addi %mul3A_4, %arg0 : i32
    %mul3A_6 = arith.constant 512 : i32
    %mul3A_7 = arith.muli %add3A_5, %mul3A_6 : i32
    %mul3A_8 = arith.constant 4 : i32
    %mul3A_9 = arith.muli %add3A_5, %mul3A_8 : i32
    "tpu.region"() ({
      %run_scoped3A = tpu.sem_alloc : memref<!tpu.dma_semaphore, #tpu.memory_space<semaphore_mem>>
      %dma_start3A_104 = arith.constant 0 : i32
      %dma_start3A_105 = tpu.memref_slice %arg3[%mul3A_9, %dma_start3A_104] : memref<128x128xi32, #tpu.memory_space<hbm>> -> memref<4x128xi32, #tpu.memory_space<hbm>>
      %dma_start3A_106 = arith.constant 0 : i32
      %dma_start3A_107 = tpu.memref_slice %arg3[%mul3A_9, %dma_start3A_106] : memref<128x128xi32, #tpu.memory_space<hbm>> -> memref<4x128xi32, #tpu.memory_space<hbm>>
      tpu.enqueue_dma source(%dma_start3A_107 : memref<4x128xi32, #tpu.memory_space<hbm>>) target(%arg7 : memref<4x128xi32, #tpu.memory_space<vmem>>) target_semaphore(%run_scoped3A : memref<!tpu.dma_semaphore, #tpu.memory_space<semaphore_mem>>)
      %dma_wait3A_108 = arith.constant 0 : i32
      %dma_wait3A_109 = tpu.memref_slice %arg3[%mul3A_9, %dma_wait3A_108] : memref<128x128xi32, #tpu.memory_space<hbm>> -> memref<4x128xi32, #tpu.memory_space<hbm>>
      %dma_wait3A_110 = arith.constant 0 : i32
      %dma_wait3A_111 = tpu.memref_slice %arg3[%mul3A_9, %dma_wait3A_110] : memref<128x128xi32, #tpu.memory_space<hbm>> -> memref<4x128xi32, #tpu.memory_space<hbm>>
      tpu.wait_dma2 semaphore(%run_scoped3A : memref<!tpu.dma_semaphore, #tpu.memory_space<semaphore_mem>>) src(%dma_wait3A_111 : memref<4x128xi32, #tpu.memory_space<hbm>>) dst(%arg7 : memref<4x128xi32, #tpu.memory_space<vmem>>)
      tpu.yield
    }) : () -> ()
    %dma_start3A = arith.constant 0 : i32
    %dma_start3A_10 = arith.constant 0 : i32
    %dma_start3A_11 = tpu.memref_slice %arg7[%dma_start3A, %dma_start3A_10] : memref<4x128xi32, #tpu.memory_space<vmem>> -> memref<1x128xi32, #tpu.memory_space<vmem>>
    %dma_start3A_12 = tpu.memref_squeeze %dma_start3A_11 : memref<1x128xi32, #tpu.memory_space<vmem>> -> memref<128xi32, #tpu.memory_space<vmem>>
    %dma_start3A_13 = arith.constant 0 : i32
    %dma_start3A_14 = arith.constant 0 : i32
    %dma_start3A_15 = tpu.memref_slice %arg2[%dma_start3A_13, %dma_start3A_14] : memref<65536x128xf32, #tpu.memory_space<hbm>> -> memref<65536x128xf32, #tpu.memory_space<hbm>>
    tpu.enqueue_indirect_dma source(%dma_start3A_15 : memref<65536x128xf32, #tpu.memory_space<hbm>>) target(%arg8 : memref<128x128xf32, #tpu.memory_space<vmem>>) offsets(%dma_start3A_12 : memref<128xi32, #tpu.memory_space<vmem>>) semaphore(%arg10 : memref<!tpu.dma_semaphore, #tpu.memory_space<semaphore_mem>>)
    %dma_start3A_16 = arith.constant 1 : i32
    %dma_start3A_17 = arith.constant 0 : i32
    %dma_start3A_18 = tpu.memref_slice %arg7[%dma_start3A_16, %dma_start3A_17] : memref<4x128xi32, #tpu.memory_space<vmem>> -> memref<1x128xi32, #tpu.memory_space<vmem>>
    %dma_start3A_19 = tpu.memref_squeeze %dma_start3A_18 : memref<1x128xi32, #tpu.memory_space<vmem>> -> memref<128xi32, #tpu.memory_space<vmem>>
    %dma_start3A_20 = arith.constant 0 : i32
    %dma_start3A_21 = arith.constant 0 : i32
    %dma_start3A_22 = tpu.memref_slice %arg2[%dma_start3A_20, %dma_start3A_21] : memref<65536x128xf32, #tpu.memory_space<hbm>> -> memref<65536x128xf32, #tpu.memory_space<hbm>>
    tpu.enqueue_indirect_dma source(%dma_start3A_22 : memref<65536x128xf32, #tpu.memory_space<hbm>>) target(%arg9 : memref<128x128xf32, #tpu.memory_space<vmem>>) offsets(%dma_start3A_19 : memref<128xi32, #tpu.memory_space<vmem>>) semaphore(%arg11 : memref<!tpu.dma_semaphore, #tpu.memory_space<semaphore_mem>>)
    %dma_wait3A = arith.constant 0 : i32
    %dma_wait3A_23 = arith.constant 0 : i32
    %dma_wait3A_24 = tpu.memref_slice %arg7[%dma_wait3A, %dma_wait3A_23] : memref<4x128xi32, #tpu.memory_space<vmem>> -> memref<1x128xi32, #tpu.memory_space<vmem>>
    %dma_wait3A_25 = tpu.memref_squeeze %dma_wait3A_24 : memref<1x128xi32, #tpu.memory_space<vmem>> -> memref<128xi32, #tpu.memory_space<vmem>>
    %dma_wait3A_26 = arith.constant 0 : i32
    %dma_wait3A_27 = arith.constant 0 : i32
    %dma_wait3A_28 = tpu.memref_slice %arg2[%dma_wait3A_26, %dma_wait3A_27] : memref<65536x128xf32, #tpu.memory_space<hbm>> -> memref<65536x128xf32, #tpu.memory_space<hbm>>
    tpu.wait_indirect_dma semaphore(%arg10 : memref<!tpu.dma_semaphore, #tpu.memory_space<semaphore_mem>>) src(%dma_wait3A_28 : memref<65536x128xf32, #tpu.memory_space<hbm>>) dst(%arg8 : memref<128x128xf32, #tpu.memory_space<vmem>>)
    %add3A_29 = arith.constant 0 : i32
    %add3A_30 = arith.addi %mul3A_7, %add3A_29 : i32
    %dma_start3A_31 = arith.constant 0 : i32
    %dma_start3A_32 = tpu.memref_slice %arg5[%add3A_30, %dma_start3A_31] : memref<16384x128xf32, #tpu.memory_space<hbm>> -> memref<128x128xf32, #tpu.memory_space<hbm>>
    %dma_start3A_33 = arith.constant 0 : i32
    %dma_start3A_34 = tpu.memref_slice %arg5[%add3A_30, %dma_start3A_33] : memref<16384x128xf32, #tpu.memory_space<hbm>> -> memref<128x128xf32, #tpu.memory_space<hbm>>
    tpu.enqueue_dma source(%arg8 : memref<128x128xf32, #tpu.memory_space<vmem>>) target(%dma_start3A_34 : memref<128x128xf32, #tpu.memory_space<hbm>>) target_semaphore(%arg12 : memref<!tpu.dma_semaphore, #tpu.memory_space<semaphore_mem>>)
    %dma_wait3A_35 = arith.constant 0 : i32
    %dma_wait3A_36 = tpu.memref_slice %arg5[%add3A_30, %dma_wait3A_35] : memref<16384x128xf32, #tpu.memory_space<hbm>> -> memref<128x128xf32, #tpu.memory_space<hbm>>
    %dma_wait3A_37 = arith.constant 0 : i32
    %dma_wait3A_38 = tpu.memref_slice %arg5[%add3A_30, %dma_wait3A_37] : memref<16384x128xf32, #tpu.memory_space<hbm>> -> memref<128x128xf32, #tpu.memory_space<hbm>>
    tpu.wait_dma2 semaphore(%arg12 : memref<!tpu.dma_semaphore, #tpu.memory_space<semaphore_mem>>) src(%arg8 : memref<128x128xf32, #tpu.memory_space<vmem>>) dst(%dma_wait3A_38 : memref<128x128xf32, #tpu.memory_space<hbm>>)
    %dma_start3A_39 = arith.constant 2 : i32
    %dma_start3A_40 = arith.constant 0 : i32
    %dma_start3A_41 = tpu.memref_slice %arg7[%dma_start3A_39, %dma_start3A_40] : memref<4x128xi32, #tpu.memory_space<vmem>> -> memref<1x128xi32, #tpu.memory_space<vmem>>
    %dma_start3A_42 = tpu.memref_squeeze %dma_start3A_41 : memref<1x128xi32, #tpu.memory_space<vmem>> -> memref<128xi32, #tpu.memory_space<vmem>>
    %dma_start3A_43 = arith.constant 0 : i32
    %dma_start3A_44 = arith.constant 0 : i32
    %dma_start3A_45 = tpu.memref_slice %arg2[%dma_start3A_43, %dma_start3A_44] : memref<65536x128xf32, #tpu.memory_space<hbm>> -> memref<65536x128xf32, #tpu.memory_space<hbm>>
    tpu.enqueue_indirect_dma source(%dma_start3A_45 : memref<65536x128xf32, #tpu.memory_space<hbm>>) target(%arg8 : memref<128x128xf32, #tpu.memory_space<vmem>>) offsets(%dma_start3A_42 : memref<128xi32, #tpu.memory_space<vmem>>) semaphore(%arg10 : memref<!tpu.dma_semaphore, #tpu.memory_space<semaphore_mem>>)
    %dma_wait3A_46 = arith.constant 1 : i32
    %dma_wait3A_47 = arith.constant 0 : i32
    %dma_wait3A_48 = tpu.memref_slice %arg7[%dma_wait3A_46, %dma_wait3A_47] : memref<4x128xi32, #tpu.memory_space<vmem>> -> memref<1x128xi32, #tpu.memory_space<vmem>>
    %dma_wait3A_49 = tpu.memref_squeeze %dma_wait3A_48 : memref<1x128xi32, #tpu.memory_space<vmem>> -> memref<128xi32, #tpu.memory_space<vmem>>
    %dma_wait3A_50 = arith.constant 0 : i32
    %dma_wait3A_51 = arith.constant 0 : i32
    %dma_wait3A_52 = tpu.memref_slice %arg2[%dma_wait3A_50, %dma_wait3A_51] : memref<65536x128xf32, #tpu.memory_space<hbm>> -> memref<65536x128xf32, #tpu.memory_space<hbm>>
    tpu.wait_indirect_dma semaphore(%arg11 : memref<!tpu.dma_semaphore, #tpu.memory_space<semaphore_mem>>) src(%dma_wait3A_52 : memref<65536x128xf32, #tpu.memory_space<hbm>>) dst(%arg9 : memref<128x128xf32, #tpu.memory_space<vmem>>)
    %add3A_53 = arith.constant 128 : i32
    %add3A_54 = arith.addi %mul3A_7, %add3A_53 : i32
    %dma_start3A_55 = arith.constant 0 : i32
    %dma_start3A_56 = tpu.memref_slice %arg5[%add3A_54, %dma_start3A_55] : memref<16384x128xf32, #tpu.memory_space<hbm>> -> memref<128x128xf32, #tpu.memory_space<hbm>>
    %dma_start3A_57 = arith.constant 0 : i32
    %dma_start3A_58 = tpu.memref_slice %arg5[%add3A_54, %dma_start3A_57] : memref<16384x128xf32, #tpu.memory_space<hbm>> -> memref<128x128xf32, #tpu.memory_space<hbm>>
    tpu.enqueue_dma source(%arg9 : memref<128x128xf32, #tpu.memory_space<vmem>>) target(%dma_start3A_58 : memref<128x128xf32, #tpu.memory_space<hbm>>) target_semaphore(%arg13 : memref<!tpu.dma_semaphore, #tpu.memory_space<semaphore_mem>>)
    %dma_wait3A_59 = arith.constant 0 : i32
    %dma_wait3A_60 = tpu.memref_slice %arg5[%add3A_54, %dma_wait3A_59] : memref<16384x128xf32, #tpu.memory_space<hbm>> -> memref<128x128xf32, #tpu.memory_space<hbm>>
    %dma_wait3A_61 = arith.constant 0 : i32
    %dma_wait3A_62 = tpu.memref_slice %arg5[%add3A_54, %dma_wait3A_61] : memref<16384x128xf32, #tpu.memory_space<hbm>> -> memref<128x128xf32, #tpu.memory_space<hbm>>
    tpu.wait_dma2 semaphore(%arg13 : memref<!tpu.dma_semaphore, #tpu.memory_space<semaphore_mem>>) src(%arg9 : memref<128x128xf32, #tpu.memory_space<vmem>>) dst(%dma_wait3A_62 : memref<128x128xf32, #tpu.memory_space<hbm>>)
    %dma_start3A_63 = arith.constant 3 : i32
    %dma_start3A_64 = arith.constant 0 : i32
    %dma_start3A_65 = tpu.memref_slice %arg7[%dma_start3A_63, %dma_start3A_64] : memref<4x128xi32, #tpu.memory_space<vmem>> -> memref<1x128xi32, #tpu.memory_space<vmem>>
    %dma_start3A_66 = tpu.memref_squeeze %dma_start3A_65 : memref<1x128xi32, #tpu.memory_space<vmem>> -> memref<128xi32, #tpu.memory_space<vmem>>
    %dma_start3A_67 = arith.constant 0 : i32
    %dma_start3A_68 = arith.constant 0 : i32
    %dma_start3A_69 = tpu.memref_slice %arg2[%dma_start3A_67, %dma_start3A_68] : memref<65536x128xf32, #tpu.memory_space<hbm>> -> memref<65536x128xf32, #tpu.memory_space<hbm>>
    tpu.enqueue_indirect_dma source(%dma_start3A_69 : memref<65536x128xf32, #tpu.memory_space<hbm>>) target(%arg9 : memref<128x128xf32, #tpu.memory_space<vmem>>) offsets(%dma_start3A_66 : memref<128xi32, #tpu.memory_space<vmem>>) semaphore(%arg11 : memref<!tpu.dma_semaphore, #tpu.memory_space<semaphore_mem>>)
    %dma_wait3A_70 = arith.constant 2 : i32
    %dma_wait3A_71 = arith.constant 0 : i32
    %dma_wait3A_72 = tpu.memref_slice %arg7[%dma_wait3A_70, %dma_wait3A_71] : memref<4x128xi32, #tpu.memory_space<vmem>> -> memref<1x128xi32, #tpu.memory_space<vmem>>
    %dma_wait3A_73 = tpu.memref_squeeze %dma_wait3A_72 : memref<1x128xi32, #tpu.memory_space<vmem>> -> memref<128xi32, #tpu.memory_space<vmem>>
    %dma_wait3A_74 = arith.constant 0 : i32
    %dma_wait3A_75 = arith.constant 0 : i32
    %dma_wait3A_76 = tpu.memref_slice %arg2[%dma_wait3A_74, %dma_wait3A_75] : memref<65536x128xf32, #tpu.memory_space<hbm>> -> memref<65536x128xf32, #tpu.memory_space<hbm>>
    tpu.wait_indirect_dma semaphore(%arg10 : memref<!tpu.dma_semaphore, #tpu.memory_space<semaphore_mem>>) src(%dma_wait3A_76 : memref<65536x128xf32, #tpu.memory_space<hbm>>) dst(%arg8 : memref<128x128xf32, #tpu.memory_space<vmem>>)
    %add3A_77 = arith.constant 256 : i32
    %add3A_78 = arith.addi %mul3A_7, %add3A_77 : i32
    %dma_start3A_79 = arith.constant 0 : i32
    %dma_start3A_80 = tpu.memref_slice %arg5[%add3A_78, %dma_start3A_79] : memref<16384x128xf32, #tpu.memory_space<hbm>> -> memref<128x128xf32, #tpu.memory_space<hbm>>
    %dma_start3A_81 = arith.constant 0 : i32
    %dma_start3A_82 = tpu.memref_slice %arg5[%add3A_78, %dma_start3A_81] : memref<16384x128xf32, #tpu.memory_space<hbm>> -> memref<128x128xf32, #tpu.memory_space<hbm>>
    tpu.enqueue_dma source(%arg8 : memref<128x128xf32, #tpu.memory_space<vmem>>) target(%dma_start3A_82 : memref<128x128xf32, #tpu.memory_space<hbm>>) target_semaphore(%arg12 : memref<!tpu.dma_semaphore, #tpu.memory_space<semaphore_mem>>)
    %dma_wait3A_83 = arith.constant 3 : i32
    %dma_wait3A_84 = arith.constant 0 : i32
    %dma_wait3A_85 = tpu.memref_slice %arg7[%dma_wait3A_83, %dma_wait3A_84] : memref<4x128xi32, #tpu.memory_space<vmem>> -> memref<1x128xi32, #tpu.memory_space<vmem>>
    %dma_wait3A_86 = tpu.memref_squeeze %dma_wait3A_85 : memref<1x128xi32, #tpu.memory_space<vmem>> -> memref<128xi32, #tpu.memory_space<vmem>>
    %dma_wait3A_87 = arith.constant 0 : i32
    %dma_wait3A_88 = arith.constant 0 : i32
    %dma_wait3A_89 = tpu.memref_slice %arg2[%dma_wait3A_87, %dma_wait3A_88] : memref<65536x128xf32, #tpu.memory_space<hbm>> -> memref<65536x128xf32, #tpu.memory_space<hbm>>
    tpu.wait_indirect_dma semaphore(%arg11 : memref<!tpu.dma_semaphore, #tpu.memory_space<semaphore_mem>>) src(%dma_wait3A_89 : memref<65536x128xf32, #tpu.memory_space<hbm>>) dst(%arg9 : memref<128x128xf32, #tpu.memory_space<vmem>>)
    %add3A_90 = arith.constant 384 : i32
    %add3A_91 = arith.addi %mul3A_7, %add3A_90 : i32
    %dma_start3A_92 = arith.constant 0 : i32
    %dma_start3A_93 = tpu.memref_slice %arg5[%add3A_91, %dma_start3A_92] : memref<16384x128xf32, #tpu.memory_space<hbm>> -> memref<128x128xf32, #tpu.memory_space<hbm>>
    %dma_start3A_94 = arith.constant 0 : i32
    %dma_start3A_95 = tpu.memref_slice %arg5[%add3A_91, %dma_start3A_94] : memref<16384x128xf32, #tpu.memory_space<hbm>> -> memref<128x128xf32, #tpu.memory_space<hbm>>
    tpu.enqueue_dma source(%arg9 : memref<128x128xf32, #tpu.memory_space<vmem>>) target(%dma_start3A_95 : memref<128x128xf32, #tpu.memory_space<hbm>>) target_semaphore(%arg13 : memref<!tpu.dma_semaphore, #tpu.memory_space<semaphore_mem>>)
    %dma_wait3A_96 = arith.constant 0 : i32
    %dma_wait3A_97 = tpu.memref_slice %arg5[%add3A_78, %dma_wait3A_96] : memref<16384x128xf32, #tpu.memory_space<hbm>> -> memref<128x128xf32, #tpu.memory_space<hbm>>
    %dma_wait3A_98 = arith.constant 0 : i32
    %dma_wait3A_99 = tpu.memref_slice %arg5[%add3A_78, %dma_wait3A_98] : memref<16384x128xf32, #tpu.memory_space<hbm>> -> memref<128x128xf32, #tpu.memory_space<hbm>>
    tpu.wait_dma2 semaphore(%arg12 : memref<!tpu.dma_semaphore, #tpu.memory_space<semaphore_mem>>) src(%arg8 : memref<128x128xf32, #tpu.memory_space<vmem>>) dst(%dma_wait3A_99 : memref<128x128xf32, #tpu.memory_space<hbm>>)
    %dma_wait3A_100 = arith.constant 0 : i32
    %dma_wait3A_101 = tpu.memref_slice %arg5[%add3A_91, %dma_wait3A_100] : memref<16384x128xf32, #tpu.memory_space<hbm>> -> memref<128x128xf32, #tpu.memory_space<hbm>>
    %dma_wait3A_102 = arith.constant 0 : i32
    %dma_wait3A_103 = tpu.memref_slice %arg5[%add3A_91, %dma_wait3A_102] : memref<16384x128xf32, #tpu.memory_space<hbm>> -> memref<128x128xf32, #tpu.memory_space<hbm>>
    tpu.wait_dma2 semaphore(%arg13 : memref<!tpu.dma_semaphore, #tpu.memory_space<semaphore_mem>>) src(%arg9 : memref<128x128xf32, #tpu.memory_space<vmem>>) dst(%dma_wait3A_103 : memref<128x128xf32, #tpu.memory_space<hbm>>)
    return
  }
}

module attributes {stable_mosaic.version = 14 : i64} {
  func.func @_tc_body2(%arg0: i32, %arg1: memref<2048x128xf32, #tpu.memory_space<vmem>>, %arg2: memref<1x1x2048xi32, #tpu.memory_space<vmem>>, %arg3: memref<1x1x2048xf32, #tpu.memory_space<vmem>>, %arg4: memref<16x128xf32, #tpu.memory_space<vmem>>, %arg5: memref<1x128xf32, #tpu.memory_space<vmem>>, %arg6: memref<128x128xf32, #tpu.memory_space<vmem>>, %arg7: memref<128x128xf32, #tpu.memory_space<vmem>>, %arg8: memref<128x128xf32, #tpu.memory_space<vmem>>, %arg9: memref<128x128xf32, #tpu.memory_space<vmem>>, %arg10: memref<128x128xf32, #tpu.memory_space<vmem>>, %arg11: memref<128x128xf32, #tpu.memory_space<vmem>>, %arg12: memref<128x128xf32, #tpu.memory_space<vmem>>, %arg13: memref<128x128xf32, #tpu.memory_space<vmem>>, %arg14: memref<1x384xf32, #tpu.memory_space<vmem>>, %arg15: memref<1x384xf32, #tpu.memory_space<vmem>>, %arg16: memref<384x128xf32, #tpu.memory_space<vmem>>, %arg17: memref<1x128xf32, #tpu.memory_space<vmem>>, %arg18: memref<128x128xf32, #tpu.memory_space<vmem>>, %arg19: memref<1x128xf32, #tpu.memory_space<vmem>>, %arg20: memref<128x256xf32, #tpu.memory_space<vmem>>, %arg21: memref<1x256xf32, #tpu.memory_space<vmem>>, %arg22: memref<256x128xf32, #tpu.memory_space<vmem>>, %arg23: memref<1x128xf32, #tpu.memory_space<vmem>>, %arg24: memref<1x128xf32, #tpu.memory_space<vmem>>, %arg25: memref<128x128xf32, #tpu.memory_space<vmem>>, %arg26: memref<16x128xf32, #tpu.memory_space<vmem>>, %arg27: memref<128x128xf32, #tpu.memory_space<vmem>>, %arg28: memref<1x128xf32, #tpu.memory_space<vmem>>, %arg29: memref<128x128xf32, #tpu.memory_space<vmem>>) attributes {dimension_semantics = [#tpu.dimension_semantics<arbitrary>], iteration_bounds = array<i64: 8>, scalar_prefetch = 0 : i64, scratch_operands = 3 : i64, tpu.core_type = #tpu.core_type<tc>, window_params = [{transform_indices = @transform_0, window_bounds = array<i64: 2048, 128>}, {transform_indices = @transform_1, window_bounds = array<i64: 1, 1, 2048>}, {transform_indices = @transform_2, window_bounds = array<i64: 1, 1, 2048>}, {pipeline_mode = #tpu.pipeline_mode<synchronous>, transform_indices = @transform_3, window_bounds = array<i64: 16, 128>}, {pipeline_mode = #tpu.pipeline_mode<synchronous>, transform_indices = @transform_4, window_bounds = array<i64: 1, 128>}, {pipeline_mode = #tpu.pipeline_mode<synchronous>, transform_indices = @transform_5, window_bounds = array<i64: 128, 128>}, {pipeline_mode = #tpu.pipeline_mode<synchronous>, transform_indices = @transform_6, window_bounds = array<i64: 128, 128>}, {pipeline_mode = #tpu.pipeline_mode<synchronous>, transform_indices = @transform_7, window_bounds = array<i64: 128, 128>}, {pipeline_mode = #tpu.pipeline_mode<synchronous>, transform_indices = @transform_8, window_bounds = array<i64: 128, 128>}, {pipeline_mode = #tpu.pipeline_mode<synchronous>, transform_indices = @transform_9, window_bounds = array<i64: 128, 128>}, {pipeline_mode = #tpu.pipeline_mode<synchronous>, transform_indices = @transform_10, window_bounds = array<i64: 128, 128>}, {pipeline_mode = #tpu.pipeline_mode<synchronous>, transform_indices = @transform_11, window_bounds = array<i64: 128, 128>}, {pipeline_mode = #tpu.pipeline_mode<synchronous>, transform_indices = @transform_12, window_bounds = array<i64: 128, 128>}, {pipeline_mode = #tpu.pipeline_mode<synchronous>, transform_indices = @transform_13, window_bounds = array<i64: 1, 384>}, {pipeline_mode = #tpu.pipeline_mode<synchronous>, transform_indices = @transform_14, window_bounds = array<i64: 1, 384>}, {pipeline_mode = #tpu.pipeline_mode<synchronous>, transform_indices = @transform_15, window_bounds = array<i64: 384, 128>}, {pipeline_mode = #tpu.pipeline_mode<synchronous>, transform_indices = @transform_16, window_bounds = array<i64: 1, 128>}, {pipeline_mode = #tpu.pipeline_mode<synchronous>, transform_indices = @transform_17, window_bounds = array<i64: 128, 128>}, {pipeline_mode = #tpu.pipeline_mode<synchronous>, transform_indices = @transform_18, window_bounds = array<i64: 1, 128>}, {pipeline_mode = #tpu.pipeline_mode<synchronous>, transform_indices = @transform_19, window_bounds = array<i64: 128, 256>}, {pipeline_mode = #tpu.pipeline_mode<synchronous>, transform_indices = @transform_20, window_bounds = array<i64: 1, 256>}, {pipeline_mode = #tpu.pipeline_mode<synchronous>, transform_indices = @transform_21, window_bounds = array<i64: 256, 128>}, {pipeline_mode = #tpu.pipeline_mode<synchronous>, transform_indices = @transform_22, window_bounds = array<i64: 1, 128>}, {pipeline_mode = #tpu.pipeline_mode<synchronous>, transform_indices = @transform_23, window_bounds = array<i64: 1, 128>}, {pipeline_mode = #tpu.pipeline_mode<synchronous>, transform_indices = @transform_24, window_bounds = array<i64: 128, 128>}, {pipeline_mode = #tpu.pipeline_mode<synchronous>, transform_indices = @transform_25, window_bounds = array<i64: 16, 128>}]} {
    %eq3A = arith.constant 0 : i32
    %eq3A_0 = arith.cmpi eq, %arg0, %eq3A : i32
    %convert_element_type3A = arith.extui %eq3A_0 : i1 to i32
    %cond3A = arith.constant 0 : i32
    %cond3A_1 = arith.cmpi ne, %convert_element_type3A, %cond3A : i32
    scf.if %cond3A_1 {
      %get3A_104 = arith.constant 0 : index
      %get3A_105 = arith.constant 0 : index
      %get3A_106 = vector.load %arg5[%get3A_104, %get3A_105] : memref<1x128xf32, #tpu.memory_space<vmem>>, vector<1x128xf32>
      %get3A_107 = arith.constant 0 : index
      %get3A_108 = arith.constant 0 : index
      %get3A_109 = vector.load %arg6[%get3A_107, %get3A_108] : memref<128x128xf32, #tpu.memory_space<vmem>>, vector<128x128xf32>
      %get3A_110 = arith.constant 0 : index
      %get3A_111 = arith.constant 0 : index
      %get3A_112 = vector.load %arg7[%get3A_110, %get3A_111] : memref<128x128xf32, #tpu.memory_space<vmem>>, vector<128x128xf32>
      %get3A_113 = arith.constant 0 : index
      %get3A_114 = arith.constant 0 : index
      %get3A_115 = vector.load %arg4[%get3A_113, %get3A_114] : memref<16x128xf32, #tpu.memory_space<vmem>>, vector<16x128xf32>
      %get3A_116 = arith.constant 0 : index
      %get3A_117 = arith.constant 0 : index
      %get3A_118 = vector.load %arg10[%get3A_116, %get3A_117] : memref<128x128xf32, #tpu.memory_space<vmem>>, vector<128x128xf32>
      %get3A_119 = arith.constant 0 : index
      %get3A_120 = arith.constant 0 : index
      %get3A_121 = vector.load %arg11[%get3A_119, %get3A_120] : memref<128x128xf32, #tpu.memory_space<vmem>>, vector<128x128xf32>
      %dot_general3A_122 = arith.constant dense<0.000000e+00> : vector<1x128xf32>
      %dot_general3A_123 = tpu.matmul %get3A_106, %get3A_109, %dot_general3A_122 {dimension_numbers = #tpu.dot_dimension_numbers<[1], [0], [0], [1], [0, 0, 1, 1], [], []>, precision = #tpu.contract_precision<fp32>, transpose_lhs_hint = false} : vector<1x128xf32>, vector<128x128xf32>, vector<1x128xf32> -> vector<1x128xf32>
      %iota3A_124 = tpu.iota {dimensions = array<i32: 0>} : vector<128x64xi32>
      %iota3A_125 = tpu.iota {dimensions = array<i32: 1>} : vector<128x64xi32>
      %jit3A_126 = arith.constant 32 : i32
      %div3A_127 = vector.broadcast %jit3A_126 : i32 to vector<128x64xi32>
      %div3A_128 = arith.divsi %iota3A_124, %div3A_127 : vector<128x64xi32>
      %sign3A_129 = arith.constant 0 : i32
      %sign3A_130 = vector.broadcast %sign3A_129 : i32 to vector<128x64xi32>
      %sign3A_131 = arith.cmpi sgt, %iota3A_124, %sign3A_130 : vector<128x64xi32>
      %sign3A_132 = arith.extui %sign3A_131 : vector<128x64xi1> to vector<128x64xi32>
      %sign3A_133 = arith.constant 0 : i32
      %sign3A_134 = vector.broadcast %sign3A_133 : i32 to vector<128x64xi32>
      %sign3A_135 = arith.cmpi slt, %iota3A_124, %sign3A_134 : vector<128x64xi32>
      %sign3A_136 = arith.extui %sign3A_135 : vector<128x64xi1> to vector<128x64xi32>
      %sign3A_137 = arith.subi %sign3A_132, %sign3A_136 : vector<128x64xi32>
      %sign3A_138 = arith.constant 0 : i32
      %sign3A_139 = arith.cmpi sgt, %jit3A_126, %sign3A_138 : i32
      %sign3A_140 = arith.extui %sign3A_139 : i1 to i32
      %sign3A_141 = arith.constant 0 : i32
      %sign3A_142 = arith.cmpi slt, %jit3A_126, %sign3A_141 : i32
      %sign3A_143 = arith.extui %sign3A_142 : i1 to i32
      %sign3A_144 = arith.subi %sign3A_140, %sign3A_143 : i32
      %ne3A_145 = vector.broadcast %sign3A_144 : i32 to vector<128x64xi32>
      %ne3A_146 = arith.cmpi ne, %sign3A_137, %ne3A_145 : vector<128x64xi32>
      %rem3A_147 = vector.broadcast %jit3A_126 : i32 to vector<128x64xi32>
      %rem3A_148 = arith.remsi %iota3A_124, %rem3A_147 : vector<128x64xi32>
      %ne3A_149 = arith.constant 0 : i32
      %ne3A_150 = vector.broadcast %ne3A_149 : i32 to vector<128x64xi32>
      %ne3A_151 = arith.cmpi ne, %rem3A_148, %ne3A_150 : vector<128x64xi32>
      %and3A_152 = arith.andi %ne3A_146, %ne3A_151 : vector<128x64xi1>
      %sub3A_153 = arith.constant 1 : i32
      %sub3A_154 = vector.broadcast %sub3A_153 : i32 to vector<128x64xi32>
      %sub3A_155 = arith.subi %div3A_128, %sub3A_154 : vector<128x64xi32>
      %select_n3A_156 = arith.select %and3A_152, %sub3A_155, %div3A_128 : vector<128x64xi1>, vector<128x64xi32>
      %jit3A_157 = arith.constant 4 : i32
      %eq3A_158 = arith.constant 0 : i32
      %eq3A_159 = arith.cmpi eq, %jit3A_157, %eq3A_158 : i32
      %jit3A_160 = arith.constant 1 : i32
      %select_n3A_161 = arith.select %eq3A_159, %jit3A_160, %jit3A_157 : i32
      %rem3A_162 = vector.broadcast %select_n3A_161 : i32 to vector<128x64xi32>
      %rem3A_163 = arith.remsi %iota3A_125, %rem3A_162 : vector<128x64xi32>
      %ne3A_164 = arith.constant 0 : i32
      %ne3A_165 = vector.broadcast %ne3A_164 : i32 to vector<128x64xi32>
      %ne3A_166 = arith.cmpi ne, %rem3A_163, %ne3A_165 : vector<128x64xi32>
      %lt3A_167 = arith.constant 0 : i32
      %lt3A_168 = vector.broadcast %lt3A_167 : i32 to vector<128x64xi32>
      %lt3A_169 = arith.cmpi slt, %rem3A_163, %lt3A_168 : vector<128x64xi32>
      %lt3A_170 = arith.constant 0 : i32
      %lt3A_171 = arith.cmpi slt, %select_n3A_161, %lt3A_170 : i32
      %ne3A_172 = vector.broadcast %lt3A_171 : i1 to vector<128x64xi1>
      %ne3A_173 = vector.broadcast %ne3A_172 : vector<128x64xi1> to vector<128x64xi1>
      %ne3A_174 = arith.xori %lt3A_169, %ne3A_173 : vector<128x64xi1>
      %and3A_175 = arith.andi %ne3A_174, %ne3A_166 : vector<128x64xi1>
      %add3A_176 = vector.broadcast %select_n3A_161 : i32 to vector<128x64xi32>
      %add3A_177 = arith.addi %rem3A_163, %add3A_176 : vector<128x64xi32>
      %select_n3A_178 = arith.select %and3A_175, %add3A_177, %rem3A_163 : vector<128x64xi1>, vector<128x64xi32>
      %eq3A_179 = arith.cmpi eq, %select_n3A_156, %select_n3A_178 : vector<128x64xi32>
      %convert_element_type3A_180 = arith.extui %eq3A_179 : vector<128x64xi1> to vector<128x64xi32>
      %convert_element_type3A_181 = arith.sitofp %convert_element_type3A_180 : vector<128x64xi32> to vector<128x64xf32>
      %mul3A_182 = vector.broadcast %dot_general3A_123 : vector<1x128xf32> to vector<128x128xf32>
      %mul3A_183 = arith.mulf %get3A_112, %mul3A_182 : vector<128x128xf32>
      %dot_general3A_184 = arith.constant dense<0.000000e+00> : vector<128x64xf32>
      %dot_general3A_185 = tpu.matmul %mul3A_183, %convert_element_type3A_181, %dot_general3A_184 {dimension_numbers = #tpu.dot_dimension_numbers<[1], [0], [0], [1], [0, 0, 1, 1], [], []>, precision = #tpu.contract_precision<fp32>, transpose_lhs_hint = false} : vector<128x128xf32>, vector<128x64xf32>, vector<128x64xf32> -> vector<128x64xf32>
      %dot_general3A_186 = arith.constant dense<0.000000e+00> : vector<16x128xf32>
      %dot_general3A_187 = tpu.matmul %get3A_115, %get3A_118, %dot_general3A_186 {dimension_numbers = #tpu.dot_dimension_numbers<[1], [0], [0], [1], [0, 0, 1, 1], [], []>, precision = #tpu.contract_precision<fp32>, transpose_lhs_hint = false} : vector<16x128xf32>, vector<128x128xf32>, vector<16x128xf32> -> vector<16x128xf32>
      %iota3A_188 = tpu.iota {dimensions = array<i32: 0>} : vector<128x128xi32>
      %iota3A_189 = tpu.iota {dimensions = array<i32: 1>} : vector<128x128xi32>
      %eq3A_190 = arith.cmpi eq, %iota3A_188, %iota3A_189 : vector<128x128xi32>
      %convert_element_type3A_191 = arith.extui %eq3A_190 : vector<128x128xi1> to vector<128x128xi32>
      %convert_element_type3A_192 = arith.sitofp %convert_element_type3A_191 : vector<128x128xi32> to vector<128x128xf32>
      %dot_general3A_193 = arith.constant dense<0.000000e+00> : vector<128x16xf32>
      %dot_general3A_194 = tpu.matmul %convert_element_type3A_192, %dot_general3A_187, %dot_general3A_193 {dimension_numbers = #tpu.dot_dimension_numbers<[1], [1], [0], [0], [0, 0, 1, 0], [], []>, precision = #tpu.contract_precision<fp32>, transpose_lhs_hint = false} : vector<128x128xf32>, vector<16x128xf32>, vector<128x16xf32> -> vector<128x16xf32>
      %iota3A_195 = tpu.iota {dimensions = array<i32: 0>} : vector<16x64xi32>
      %iota3A_196 = tpu.iota {dimensions = array<i32: 1>} : vector<16x64xi32>
      %jit3A_197 = arith.constant 4 : i32
      %div3A_198 = vector.broadcast %jit3A_197 : i32 to vector<16x64xi32>
      %div3A_199 = arith.divsi %iota3A_196, %div3A_198 : vector<16x64xi32>
      %sign3A_200 = arith.constant 0 : i32
      %sign3A_201 = vector.broadcast %sign3A_200 : i32 to vector<16x64xi32>
      %sign3A_202 = arith.cmpi sgt, %iota3A_196, %sign3A_201 : vector<16x64xi32>
      %sign3A_203 = arith.extui %sign3A_202 : vector<16x64xi1> to vector<16x64xi32>
      %sign3A_204 = arith.constant 0 : i32
      %sign3A_205 = vector.broadcast %sign3A_204 : i32 to vector<16x64xi32>
      %sign3A_206 = arith.cmpi slt, %iota3A_196, %sign3A_205 : vector<16x64xi32>
      %sign3A_207 = arith.extui %sign3A_206 : vector<16x64xi1> to vector<16x64xi32>
      %sign3A_208 = arith.subi %sign3A_203, %sign3A_207 : vector<16x64xi32>
      %sign3A_209 = arith.constant 0 : i32
      %sign3A_210 = arith.cmpi sgt, %jit3A_197, %sign3A_209 : i32
      %sign3A_211 = arith.extui %sign3A_210 : i1 to i32
      %sign3A_212 = arith.constant 0 : i32
      %sign3A_213 = arith.cmpi slt, %jit3A_197, %sign3A_212 : i32
      %sign3A_214 = arith.extui %sign3A_213 : i1 to i32
      %sign3A_215 = arith.subi %sign3A_211, %sign3A_214 : i32
      %ne3A_216 = vector.broadcast %sign3A_215 : i32 to vector<16x64xi32>
      %ne3A_217 = arith.cmpi ne, %sign3A_208, %ne3A_216 : vector<16x64xi32>
      %rem3A_218 = vector.broadcast %jit3A_197 : i32 to vector<16x64xi32>
      %rem3A_219 = arith.remsi %iota3A_196, %rem3A_218 : vector<16x64xi32>
      %ne3A_220 = arith.constant 0 : i32
      %ne3A_221 = vector.broadcast %ne3A_220 : i32 to vector<16x64xi32>
      %ne3A_222 = arith.cmpi ne, %rem3A_219, %ne3A_221 : vector<16x64xi32>
      %and3A_223 = arith.andi %ne3A_217, %ne3A_222 : vector<16x64xi1>
      %sub3A_224 = arith.constant 1 : i32
      %sub3A_225 = vector.broadcast %sub3A_224 : i32 to vector<16x64xi32>
      %sub3A_226 = arith.subi %div3A_199, %sub3A_225 : vector<16x64xi32>
      %select_n3A_227 = arith.select %and3A_223, %sub3A_226, %div3A_199 : vector<16x64xi1>, vector<16x64xi32>
      %eq3A_228 = arith.cmpi eq, %select_n3A_227, %iota3A_195 : vector<16x64xi32>
      %convert_element_type3A_229 = arith.extui %eq3A_228 : vector<16x64xi1> to vector<16x64xi32>
      %convert_element_type3A_230 = arith.sitofp %convert_element_type3A_229 : vector<16x64xi32> to vector<16x64xf32>
      %dot_general3A_231 = arith.constant dense<0.000000e+00> : vector<128x64xf32>
      %dot_general3A_232 = tpu.matmul %dot_general3A_194, %convert_element_type3A_230, %dot_general3A_231 {dimension_numbers = #tpu.dot_dimension_numbers<[1], [0], [0], [1], [0, 0, 1, 1], [], []>, precision = #tpu.contract_precision<fp32>, transpose_lhs_hint = false} : vector<128x16xf32>, vector<16x64xf32>, vector<128x64xf32> -> vector<128x64xf32>
      %mul3A_233 = arith.mulf %dot_general3A_232, %convert_element_type3A_181 : vector<128x64xf32>
      %dot_general3A_234 = arith.constant dense<0.000000e+00> : vector<128x64xf32>
      %dot_general3A_235 = tpu.matmul %get3A_121, %mul3A_233, %dot_general3A_234 {dimension_numbers = #tpu.dot_dimension_numbers<[1], [0], [0], [1], [0, 0, 1, 1], [], []>, precision = #tpu.contract_precision<fp32>, transpose_lhs_hint = false} : vector<128x128xf32>, vector<128x64xf32>, vector<128x64xf32> -> vector<128x64xf32>
      %concatenate3A = tpu.concatenate %dot_general3A_185, %dot_general3A_235 in 1 : vector<128x64xf32>, vector<128x64xf32> -> vector<128x128xf32>
      %mul3A_236 = arith.constant 0.176776692 : f32
      %mul3A_237 = vector.broadcast %mul3A_236 : f32 to vector<128x128xf32>
      %mul3A_238 = arith.mulf %concatenate3A, %mul3A_237 : vector<128x128xf32>
      %swap3A_239 = arith.constant 0 : index
      %swap3A_240 = arith.constant 0 : index
      %swap3A_241 = vector.load %arg27[%swap3A_239, %swap3A_240] : memref<128x128xf32, #tpu.memory_space<vmem>>, vector<128x128xf32>
      tpu.vector_store %arg27[%swap3A_239, %swap3A_240], %mul3A_238 {strides = array<i32>} : memref<128x128xf32, #tpu.memory_space<vmem>>, vector<128x128xf32>,
      %get3A_242 = arith.constant 0 : index
      %get3A_243 = arith.constant 0 : index
      %get3A_244 = vector.load %arg24[%get3A_242, %get3A_243] : memref<1x128xf32, #tpu.memory_space<vmem>>, vector<1x128xf32>
      %swap3A_245 = arith.constant 0 : index
      %swap3A_246 = arith.constant 0 : index
      %swap3A_247 = vector.load %arg28[%swap3A_245, %swap3A_246] : memref<1x128xf32, #tpu.memory_space<vmem>>, vector<1x128xf32>
      tpu.vector_store %arg28[%swap3A_245, %swap3A_246], %get3A_244 {strides = array<i32>} : memref<1x128xf32, #tpu.memory_space<vmem>>, vector<1x128xf32>,
      %get3A_248 = arith.constant 0 : index
      %get3A_249 = arith.constant 0 : index
      %get3A_250 = vector.load %arg25[%get3A_248, %get3A_249] : memref<128x128xf32, #tpu.memory_space<vmem>>, vector<128x128xf32>
      %swap3A_251 = arith.constant 0 : index
      %swap3A_252 = arith.constant 0 : index
      %swap3A_253 = vector.load %arg29[%swap3A_251, %swap3A_252] : memref<128x128xf32, #tpu.memory_space<vmem>>, vector<128x128xf32>
      tpu.vector_store %arg29[%swap3A_251, %swap3A_252], %get3A_250 {strides = array<i32>} : memref<128x128xf32, #tpu.memory_space<vmem>>, vector<128x128xf32>,
    } else {
    }
    %get3A = arith.constant 0 : index
    %get3A_2 = arith.constant 0 : index
    %get3A_3 = vector.load %arg1[%get3A, %get3A_2] : memref<2048x128xf32, #tpu.memory_space<vmem>>, vector<2048x128xf32>
    %get3A_4 = arith.constant 0 : index
    %get3A_5 = arith.constant 0 : index
    %get3A_6 = arith.constant 0 : index
    %get3A_7 = vector.load %arg2[%get3A_4, %get3A_5, %get3A_6] : memref<1x1x2048xi32, #tpu.memory_space<vmem>>, vector<1x1x2048xi32>
    %get3A_8 = vector.shape_cast %get3A_7 : vector<1x1x2048xi32> to vector<1x2048xi32>
    %convert_element_type3A_9 = arith.sitofp %get3A_8 : vector<1x2048xi32> to vector<1x2048xf32>
    %get3A_10 = arith.constant 0 : index
    %get3A_11 = arith.constant 0 : index
    %get3A_12 = arith.constant 0 : index
    %get3A_13 = vector.load %arg3[%get3A_10, %get3A_11, %get3A_12] : memref<1x1x2048xf32, #tpu.memory_space<vmem>>, vector<1x1x2048xf32>
    %get3A_14 = vector.shape_cast %get3A_13 : vector<1x1x2048xf32> to vector<1x2048xf32>
    %add3A = arith.constant 9.99999993E-9 : f32
    %add3A_15 = vector.broadcast %add3A : f32 to vector<1x2048xf32>
    %add3A_16 = arith.addf %get3A_14, %add3A_15 : vector<1x2048xf32>
    %broadcast_in_dim3A = arith.constant 1.000000e+00 : f32
    %broadcast_in_dim3A_17 = vector.broadcast %broadcast_in_dim3A : f32 to vector<1x16xf32>
    %dot_general3A = arith.constant dense<0.000000e+00> : vector<2048x16xf32>
    %dot_general3A_18 = tpu.matmul %convert_element_type3A_9, %broadcast_in_dim3A_17, %dot_general3A {dimension_numbers = #tpu.dot_dimension_numbers<[0], [0], [1], [1], [0, 1, 1, 1], [], []>, transpose_lhs_hint = false} : vector<1x2048xf32>, vector<1x16xf32>, vector<2048x16xf32> -> vector<2048x16xf32>
    %dot_general3A_19 = arith.constant dense<0.000000e+00> : vector<2048x16xf32>
    %dot_general3A_20 = tpu.matmul %add3A_16, %broadcast_in_dim3A_17, %dot_general3A_19 {dimension_numbers = #tpu.dot_dimension_numbers<[0], [0], [1], [1], [0, 1, 1, 1], [], []>, transpose_lhs_hint = false} : vector<1x2048xf32>, vector<1x16xf32>, vector<2048x16xf32> -> vector<2048x16xf32>
    %iota3A = tpu.iota {dimensions = array<i32: 1>} : vector<2048x16xi32>
    %convert_element_type3A_21 = arith.sitofp %iota3A : vector<2048x16xi32> to vector<2048x16xf32>
    %eq3A_22 = arith.cmpf oeq, %dot_general3A_18, %convert_element_type3A_21 : vector<2048x16xf32>
    %jit3A = arith.constant 0.000000e+00 : f32
    %broadcast_in_dim3A_23 = vector.broadcast %jit3A : f32 to vector<2048x16xf32>
    %select_n3A = arith.select %eq3A_22, %dot_general3A_20, %broadcast_in_dim3A_23 : vector<2048x16xi1>, vector<2048x16xf32>
    %iota3A_24 = tpu.iota {dimensions = array<i32: 0>} : vector<16x128xi32>
    %iota3A_25 = tpu.iota {dimensions = array<i32: 1>} : vector<16x128xi32>
    %jit3A_26 = arith.constant 4 : i32
    %div3A = vector.broadcast %jit3A_26 : i32 to vector<16x128xi32>
    %div3A_27 = arith.divsi %iota3A_25, %div3A : vector<16x128xi32>
    %sign3A = arith.constant 0 : i32
    %sign3A_28 = vector.broadcast %sign3A : i32 to vector<16x128xi32>
    %sign3A_29 = arith.cmpi sgt, %iota3A_25, %sign3A_28 : vector<16x128xi32>
    %sign3A_30 = arith.extui %sign3A_29 : vector<16x128xi1> to vector<16x128xi32>
    %sign3A_31 = arith.constant 0 : i32
    %sign3A_32 = vector.broadcast %sign3A_31 : i32 to vector<16x128xi32>
    %sign3A_33 = arith.cmpi slt, %iota3A_25, %sign3A_32 : vector<16x128xi32>
    %sign3A_34 = arith.extui %sign3A_33 : vector<16x128xi1> to vector<16x128xi32>
    %sign3A_35 = arith.subi %sign3A_30, %sign3A_34 : vector<16x128xi32>
    %sign3A_36 = arith.constant 0 : i32
    %sign3A_37 = arith.cmpi sgt, %jit3A_26, %sign3A_36 : i32
    %sign3A_38 = arith.extui %sign3A_37 : i1 to i32
    %sign3A_39 = arith.constant 0 : i32
    %sign3A_40 = arith.cmpi slt, %jit3A_26, %sign3A_39 : i32
    %sign3A_41 = arith.extui %sign3A_40 : i1 to i32
    %sign3A_42 = arith.subi %sign3A_38, %sign3A_41 : i32
    %ne3A = vector.broadcast %sign3A_42 : i32 to vector<16x128xi32>
    %ne3A_43 = arith.cmpi ne, %sign3A_35, %ne3A : vector<16x128xi32>
    %rem3A = vector.broadcast %jit3A_26 : i32 to vector<16x128xi32>
    %rem3A_44 = arith.remsi %iota3A_25, %rem3A : vector<16x128xi32>
    %ne3A_45 = arith.constant 0 : i32
    %ne3A_46 = vector.broadcast %ne3A_45 : i32 to vector<16x128xi32>
    %ne3A_47 = arith.cmpi ne, %rem3A_44, %ne3A_46 : vector<16x128xi32>
    %and3A = arith.andi %ne3A_43, %ne3A_47 : vector<16x128xi1>
    %sub3A = arith.constant 1 : i32
    %sub3A_48 = vector.broadcast %sub3A : i32 to vector<16x128xi32>
    %sub3A_49 = arith.subi %div3A_27, %sub3A_48 : vector<16x128xi32>
    %select_n3A_50 = arith.select %and3A, %sub3A_49, %div3A_27 : vector<16x128xi1>, vector<16x128xi32>
    %jit3A_51 = arith.constant 16 : i32
    %eq3A_52 = arith.constant 0 : i32
    %eq3A_53 = arith.cmpi eq, %jit3A_51, %eq3A_52 : i32
    %jit3A_54 = arith.constant 1 : i32
    %select_n3A_55 = arith.select %eq3A_53, %jit3A_54, %jit3A_51 : i32
    %rem3A_56 = vector.broadcast %select_n3A_55 : i32 to vector<16x128xi32>
    %rem3A_57 = arith.remsi %select_n3A_50, %rem3A_56 : vector<16x128xi32>
    %ne3A_58 = arith.constant 0 : i32
    %ne3A_59 = vector.broadcast %ne3A_58 : i32 to vector<16x128xi32>
    %ne3A_60 = arith.cmpi ne, %rem3A_57, %ne3A_59 : vector<16x128xi32>
    %lt3A = arith.constant 0 : i32
    %lt3A_61 = vector.broadcast %lt3A : i32 to vector<16x128xi32>
    %lt3A_62 = arith.cmpi slt, %rem3A_57, %lt3A_61 : vector<16x128xi32>
    %lt3A_63 = arith.constant 0 : i32
    %lt3A_64 = arith.cmpi slt, %select_n3A_55, %lt3A_63 : i32
    %ne3A_65 = vector.broadcast %lt3A_64 : i1 to vector<16x128xi1>
    %ne3A_66 = vector.broadcast %ne3A_65 : vector<16x128xi1> to vector<16x128xi1>
    %ne3A_67 = arith.xori %lt3A_62, %ne3A_66 : vector<16x128xi1>
    %and3A_68 = arith.andi %ne3A_67, %ne3A_60 : vector<16x128xi1>
    %add3A_69 = vector.broadcast %select_n3A_55 : i32 to vector<16x128xi32>
    %add3A_70 = arith.addi %rem3A_57, %add3A_69 : vector<16x128xi32>
    %select_n3A_71 = arith.select %and3A_68, %add3A_70, %rem3A_57 : vector<16x128xi1>, vector<16x128xi32>
    %eq3A_72 = arith.cmpi eq, %select_n3A_71, %iota3A_24 : vector<16x128xi32>
    %convert_element_type3A_73 = arith.extui %eq3A_72 : vector<16x128xi1> to vector<16x128xi32>
    %convert_element_type3A_74 = arith.sitofp %convert_element_type3A_73 : vector<16x128xi32> to vector<16x128xf32>
    %get3A_75 = arith.constant 0 : index
    %get3A_76 = arith.constant 0 : index
    %get3A_77 = vector.load %arg27[%get3A_75, %get3A_76] : memref<128x128xf32, #tpu.memory_space<vmem>>, vector<128x128xf32>
    %dot_general3A_78 = arith.constant dense<0.000000e+00> : vector<2048x128xf32>
    %dot_general3A_79 = tpu.matmul %get3A_3, %get3A_77, %dot_general3A_78 {dimension_numbers = #tpu.dot_dimension_numbers<[1], [0], [0], [1], [0, 0, 1, 1], [], []>, transpose_lhs_hint = false} : vector<2048x128xf32>, vector<128x128xf32>, vector<2048x128xf32> -> vector<2048x128xf32>
    %dot_general3A_80 = arith.constant dense<0.000000e+00> : vector<2048x128xf32>
    %dot_general3A_81 = tpu.matmul %select_n3A, %convert_element_type3A_74, %dot_general3A_80 {dimension_numbers = #tpu.dot_dimension_numbers<[1], [0], [0], [1], [0, 0, 1, 1], [], []>, transpose_lhs_hint = false} : vector<2048x16xf32>, vector<16x128xf32>, vector<2048x128xf32> -> vector<2048x128xf32>
    %exp3A = math.exp %dot_general3A_79 : vector<2048x128xf32>
    %mul3A = arith.mulf %dot_general3A_81, %exp3A : vector<2048x128xf32>
    %get3A_82 = arith.constant 0 : index
    %get3A_83 = arith.constant 0 : index
    %get3A_84 = vector.load %arg28[%get3A_82, %get3A_83] : memref<1x128xf32, #tpu.memory_space<vmem>>, vector<1x128xf32>
    %reduce_sum3A = arith.constant dense<0.000000e+00> : vector<128xf32>
    %reduce_sum3A_85 = vector.multi_reduction <add>, %mul3A, %reduce_sum3A [0] : vector<2048x128xf32> to vector<128xf32>
    %broadcast_in_dim3A_86 = vector.shape_cast %reduce_sum3A_85 : vector<128xf32> to vector<1x128xf32>
    %add3A_87 = arith.addf %get3A_84, %broadcast_in_dim3A_86 : vector<1x128xf32>
    %swap3A = arith.constant 0 : index
    %swap3A_88 = arith.constant 0 : index
    %swap3A_89 = vector.load %arg28[%swap3A, %swap3A_88] : memref<1x128xf32, #tpu.memory_space<vmem>>, vector<1x128xf32>
    tpu.vector_store %arg28[%swap3A, %swap3A_88], %add3A_87 {strides = array<i32>} : memref<1x128xf32, #tpu.memory_space<vmem>>, vector<1x128xf32>,
    %get3A_90 = arith.constant 0 : index
    %get3A_91 = arith.constant 0 : index
    %get3A_92 = vector.load %arg29[%get3A_90, %get3A_91] : memref<128x128xf32, #tpu.memory_space<vmem>>, vector<128x128xf32>
    %dot_general3A_93 = arith.constant dense<0.000000e+00> : vector<128x128xf32>
    %dot_general3A_94 = tpu.matmul %mul3A, %get3A_3, %dot_general3A_93 {dimension_numbers = #tpu.dot_dimension_numbers<[0], [0], [1], [1], [0, 1, 1, 1], [], []>, transpose_lhs_hint = false} : vector<2048x128xf32>, vector<2048x128xf32>, vector<128x128xf32> -> vector<128x128xf32>
    %add3A_95 = arith.addf %get3A_92, %dot_general3A_94 : vector<128x128xf32>
    %swap3A_96 = arith.constant 0 : index
    %swap3A_97 = arith.constant 0 : index
    %swap3A_98 = vector.load %arg29[%swap3A_96, %swap3A_97] : memref<128x128xf32, #tpu.memory_space<vmem>>, vector<128x128xf32>
    tpu.vector_store %arg29[%swap3A_96, %swap3A_97], %add3A_95 {strides = array<i32>} : memref<128x128xf32, #tpu.memory_space<vmem>>, vector<128x128xf32>,
    %eq3A_99 = arith.constant 7 : i32
    %eq3A_100 = arith.cmpi eq, %arg0, %eq3A_99 : i32
    %convert_element_type3A_101 = arith.extui %eq3A_100 : i1 to i32
    %cond3A_102 = arith.constant 0 : i32
    %cond3A_103 = arith.cmpi ne, %convert_element_type3A_101, %cond3A_102 : i32
    scf.if %cond3A_103 {
      %get3A_104 = arith.constant 0 : index
      %get3A_105 = arith.constant 0 : index
      %get3A_106 = vector.load %arg28[%get3A_104, %get3A_105] : memref<1x128xf32, #tpu.memory_space<vmem>>, vector<1x128xf32>
      %add3A_107 = arith.constant 9.99999971E-10 : f32
      %add3A_108 = vector.broadcast %add3A_107 : f32 to vector<1x128xf32>
      %add3A_109 = arith.addf %get3A_106, %add3A_108 : vector<1x128xf32>
      %div3A_110 = arith.constant 1.000000e+00 : f32
      %div3A_111 = vector.broadcast %div3A_110 : f32 to vector<1x128xf32>
      %div3A_112 = arith.divf %div3A_111, %add3A_109 : vector<1x128xf32>
      %iota3A_113 = tpu.iota {dimensions = array<i32: 0>} : vector<128x128xi32>
      %iota3A_114 = tpu.iota {dimensions = array<i32: 1>} : vector<128x128xi32>
      %eq3A_115 = arith.cmpi eq, %iota3A_113, %iota3A_114 : vector<128x128xi32>
      %convert_element_type3A_116 = arith.extui %eq3A_115 : vector<128x128xi1> to vector<128x128xi32>
      %convert_element_type3A_117 = arith.sitofp %convert_element_type3A_116 : vector<128x128xi32> to vector<128x128xf32>
      %mul3A_118 = vector.broadcast %div3A_112 : vector<1x128xf32> to vector<128x128xf32>
      %mul3A_119 = arith.mulf %convert_element_type3A_117, %mul3A_118 : vector<128x128xf32>
      %get3A_120 = arith.constant 0 : index
      %get3A_121 = arith.constant 0 : index
      %get3A_122 = vector.load %arg29[%get3A_120, %get3A_121] : memref<128x128xf32, #tpu.memory_space<vmem>>, vector<128x128xf32>
      %dot_general3A_123 = arith.constant dense<0.000000e+00> : vector<128x128xf32>
      %dot_general3A_124 = tpu.matmul %mul3A_119, %get3A_122, %dot_general3A_123 {dimension_numbers = #tpu.dot_dimension_numbers<[1], [0], [0], [1], [0, 0, 1, 1], [], []>, precision = #tpu.contract_precision<fp32>, transpose_lhs_hint = false} : vector<128x128xf32>, vector<128x128xf32>, vector<128x128xf32> -> vector<128x128xf32>
      %slice3A = vector.extract_strided_slice %dot_general3A_124 {offsets = [0, 0], sizes = [64, 128], strides = [1, 1]} : vector<128x128xf32> to vector<64x128xf32>
      %slice3A_125 = vector.extract_strided_slice %dot_general3A_124 {offsets = [64, 0], sizes = [64, 128], strides = [1, 1]} : vector<128x128xf32> to vector<64x128xf32>
      %iota3A_126 = tpu.iota {dimensions = array<i32: 0>} : vector<64x128xi32>
      %iota3A_127 = tpu.iota {dimensions = array<i32: 1>} : vector<64x128xi32>
      %jit3A_128 = arith.constant 4 : i32
      %eq3A_129 = arith.constant 0 : i32
      %eq3A_130 = arith.cmpi eq, %jit3A_128, %eq3A_129 : i32
      %jit3A_131 = arith.constant 1 : i32
      %select_n3A_132 = arith.select %eq3A_130, %jit3A_131, %jit3A_128 : i32
      %rem3A_133 = vector.broadcast %select_n3A_132 : i32 to vector<64x128xi32>
      %rem3A_134 = arith.remsi %iota3A_126, %rem3A_133 : vector<64x128xi32>
      %ne3A_135 = arith.constant 0 : i32
      %ne3A_136 = vector.broadcast %ne3A_135 : i32 to vector<64x128xi32>
      %ne3A_137 = arith.cmpi ne, %rem3A_134, %ne3A_136 : vector<64x128xi32>
      %lt3A_138 = arith.constant 0 : i32
      %lt3A_139 = vector.broadcast %lt3A_138 : i32 to vector<64x128xi32>
      %lt3A_140 = arith.cmpi slt, %rem3A_134, %lt3A_139 : vector<64x128xi32>
      %lt3A_141 = arith.constant 0 : i32
      %lt3A_142 = arith.cmpi slt, %select_n3A_132, %lt3A_141 : i32
      %ne3A_143 = vector.broadcast %lt3A_142 : i1 to vector<64x128xi1>
      %ne3A_144 = vector.broadcast %ne3A_143 : vector<64x128xi1> to vector<64x128xi1>
      %ne3A_145 = arith.xori %lt3A_140, %ne3A_144 : vector<64x128xi1>
      %and3A_146 = arith.andi %ne3A_145, %ne3A_137 : vector<64x128xi1>
      %add3A_147 = vector.broadcast %select_n3A_132 : i32 to vector<64x128xi32>
      %add3A_148 = arith.addi %rem3A_134, %add3A_147 : vector<64x128xi32>
      %select_n3A_149 = arith.select %and3A_146, %add3A_148, %rem3A_134 : vector<64x128xi1>, vector<64x128xi32>
      %jit3A_150 = arith.constant 32 : i32
      %div3A_151 = vector.broadcast %jit3A_150 : i32 to vector<64x128xi32>
      %div3A_152 = arith.divsi %iota3A_127, %div3A_151 : vector<64x128xi32>
      %sign3A_153 = arith.constant 0 : i32
      %sign3A_154 = vector.broadcast %sign3A_153 : i32 to vector<64x128xi32>
      %sign3A_155 = arith.cmpi sgt, %iota3A_127, %sign3A_154 : vector<64x128xi32>
      %sign3A_156 = arith.extui %sign3A_155 : vector<64x128xi1> to vector<64x128xi32>
      %sign3A_157 = arith.constant 0 : i32
      %sign3A_158 = vector.broadcast %sign3A_157 : i32 to vector<64x128xi32>
      %sign3A_159 = arith.cmpi slt, %iota3A_127, %sign3A_158 : vector<64x128xi32>
      %sign3A_160 = arith.extui %sign3A_159 : vector<64x128xi1> to vector<64x128xi32>
      %sign3A_161 = arith.subi %sign3A_156, %sign3A_160 : vector<64x128xi32>
      %sign3A_162 = arith.constant 0 : i32
      %sign3A_163 = arith.cmpi sgt, %jit3A_150, %sign3A_162 : i32
      %sign3A_164 = arith.extui %sign3A_163 : i1 to i32
      %sign3A_165 = arith.constant 0 : i32
      %sign3A_166 = arith.cmpi slt, %jit3A_150, %sign3A_165 : i32
      %sign3A_167 = arith.extui %sign3A_166 : i1 to i32
      %sign3A_168 = arith.subi %sign3A_164, %sign3A_167 : i32
      %ne3A_169 = vector.broadcast %sign3A_168 : i32 to vector<64x128xi32>
      %ne3A_170 = arith.cmpi ne, %sign3A_161, %ne3A_169 : vector<64x128xi32>
      %rem3A_171 = vector.broadcast %jit3A_150 : i32 to vector<64x128xi32>
      %rem3A_172 = arith.remsi %iota3A_127, %rem3A_171 : vector<64x128xi32>
      %ne3A_173 = arith.constant 0 : i32
      %ne3A_174 = vector.broadcast %ne3A_173 : i32 to vector<64x128xi32>
      %ne3A_175 = arith.cmpi ne, %rem3A_172, %ne3A_174 : vector<64x128xi32>
      %and3A_176 = arith.andi %ne3A_170, %ne3A_175 : vector<64x128xi1>
      %sub3A_177 = arith.constant 1 : i32
      %sub3A_178 = vector.broadcast %sub3A_177 : i32 to vector<64x128xi32>
      %sub3A_179 = arith.subi %div3A_152, %sub3A_178 : vector<64x128xi32>
      %select_n3A_180 = arith.select %and3A_176, %sub3A_179, %div3A_152 : vector<64x128xi1>, vector<64x128xi32>
      %eq3A_181 = arith.cmpi eq, %select_n3A_149, %select_n3A_180 : vector<64x128xi32>
      %convert_element_type3A_182 = arith.extui %eq3A_181 : vector<64x128xi1> to vector<64x128xi32>
      %convert_element_type3A_183 = arith.sitofp %convert_element_type3A_182 : vector<64x128xi32> to vector<64x128xf32>
      %iota3A_184 = tpu.iota {dimensions = array<i32: 0>} : vector<16x64xi32>
      %iota3A_185 = tpu.iota {dimensions = array<i32: 1>} : vector<16x64xi32>
      %jit3A_186 = arith.constant 4 : i32
      %div3A_187 = vector.broadcast %jit3A_186 : i32 to vector<16x64xi32>
      %div3A_188 = arith.divsi %iota3A_185, %div3A_187 : vector<16x64xi32>
      %sign3A_189 = arith.constant 0 : i32
      %sign3A_190 = vector.broadcast %sign3A_189 : i32 to vector<16x64xi32>
      %sign3A_191 = arith.cmpi sgt, %iota3A_185, %sign3A_190 : vector<16x64xi32>
      %sign3A_192 = arith.extui %sign3A_191 : vector<16x64xi1> to vector<16x64xi32>
      %sign3A_193 = arith.constant 0 : i32
      %sign3A_194 = vector.broadcast %sign3A_193 : i32 to vector<16x64xi32>
      %sign3A_195 = arith.cmpi slt, %iota3A_185, %sign3A_194 : vector<16x64xi32>
      %sign3A_196 = arith.extui %sign3A_195 : vector<16x64xi1> to vector<16x64xi32>
      %sign3A_197 = arith.subi %sign3A_192, %sign3A_196 : vector<16x64xi32>
      %sign3A_198 = arith.constant 0 : i32
      %sign3A_199 = arith.cmpi sgt, %jit3A_186, %sign3A_198 : i32
      %sign3A_200 = arith.extui %sign3A_199 : i1 to i32
      %sign3A_201 = arith.constant 0 : i32
      %sign3A_202 = arith.cmpi slt, %jit3A_186, %sign3A_201 : i32
      %sign3A_203 = arith.extui %sign3A_202 : i1 to i32
      %sign3A_204 = arith.subi %sign3A_200, %sign3A_203 : i32
      %ne3A_205 = vector.broadcast %sign3A_204 : i32 to vector<16x64xi32>
      %ne3A_206 = arith.cmpi ne, %sign3A_197, %ne3A_205 : vector<16x64xi32>
      %rem3A_207 = vector.broadcast %jit3A_186 : i32 to vector<16x64xi32>
      %rem3A_208 = arith.remsi %iota3A_185, %rem3A_207 : vector<16x64xi32>
      %ne3A_209 = arith.constant 0 : i32
      %ne3A_210 = vector.broadcast %ne3A_209 : i32 to vector<16x64xi32>
      %ne3A_211 = arith.cmpi ne, %rem3A_208, %ne3A_210 : vector<16x64xi32>
      %and3A_212 = arith.andi %ne3A_206, %ne3A_211 : vector<16x64xi1>
      %sub3A_213 = arith.constant 1 : i32
      %sub3A_214 = vector.broadcast %sub3A_213 : i32 to vector<16x64xi32>
      %sub3A_215 = arith.subi %div3A_188, %sub3A_214 : vector<16x64xi32>
      %select_n3A_216 = arith.select %and3A_212, %sub3A_215, %div3A_188 : vector<16x64xi1>, vector<16x64xi32>
      %eq3A_217 = arith.cmpi eq, %select_n3A_216, %iota3A_184 : vector<16x64xi32>
      %convert_element_type3A_218 = arith.extui %eq3A_217 : vector<16x64xi1> to vector<16x64xi32>
      %convert_element_type3A_219 = arith.sitofp %convert_element_type3A_218 : vector<16x64xi32> to vector<16x64xf32>
      %get3A_220 = arith.constant 0 : index
      %get3A_221 = arith.constant 0 : index
      %get3A_222 = vector.load %arg8[%get3A_220, %get3A_221] : memref<128x128xf32, #tpu.memory_space<vmem>>, vector<128x128xf32>
      %dot_general3A_223 = arith.constant dense<0.000000e+00> : vector<64x128xf32>
      %dot_general3A_224 = tpu.matmul %slice3A, %get3A_222, %dot_general3A_223 {dimension_numbers = #tpu.dot_dimension_numbers<[1], [0], [0], [1], [0, 0, 1, 1], [], []>, precision = #tpu.contract_precision<fp32>, transpose_lhs_hint = false} : vector<64x128xf32>, vector<128x128xf32>, vector<64x128xf32> -> vector<64x128xf32>
      %mul3A_225 = arith.mulf %dot_general3A_224, %convert_element_type3A_183 : vector<64x128xf32>
      %dot_general3A_226 = arith.constant dense<0.000000e+00> : vector<16x128xf32>
      %dot_general3A_227 = tpu.matmul %convert_element_type3A_219, %mul3A_225, %dot_general3A_226 {dimension_numbers = #tpu.dot_dimension_numbers<[1], [0], [0], [1], [0, 0, 1, 1], [], []>, precision = #tpu.contract_precision<fp32>, transpose_lhs_hint = false} : vector<16x64xf32>, vector<64x128xf32>, vector<16x128xf32> -> vector<16x128xf32>
      %get3A_228 = arith.constant 0 : index
      %get3A_229 = arith.constant 0 : index
      %get3A_230 = vector.load %arg9[%get3A_228, %get3A_229] : memref<128x128xf32, #tpu.memory_space<vmem>>, vector<128x128xf32>
      %dot_general3A_231 = arith.constant dense<0.000000e+00> : vector<16x128xf32>
      %dot_general3A_232 = tpu.matmul %dot_general3A_227, %get3A_230, %dot_general3A_231 {dimension_numbers = #tpu.dot_dimension_numbers<[1], [0], [0], [1], [0, 0, 1, 1], [], []>, precision = #tpu.contract_precision<fp32>, transpose_lhs_hint = false} : vector<16x128xf32>, vector<128x128xf32>, vector<16x128xf32> -> vector<16x128xf32>
      %get3A_233 = arith.constant 0 : index
      %get3A_234 = arith.constant 0 : index
      %get3A_235 = vector.load %arg12[%get3A_233, %get3A_234] : memref<128x128xf32, #tpu.memory_space<vmem>>, vector<128x128xf32>
      %dot_general3A_236 = arith.constant dense<0.000000e+00> : vector<64x128xf32>
      %dot_general3A_237 = tpu.matmul %slice3A_125, %get3A_235, %dot_general3A_236 {dimension_numbers = #tpu.dot_dimension_numbers<[1], [0], [0], [1], [0, 0, 1, 1], [], []>, precision = #tpu.contract_precision<fp32>, transpose_lhs_hint = false} : vector<64x128xf32>, vector<128x128xf32>, vector<64x128xf32> -> vector<64x128xf32>
      %mul3A_238 = arith.mulf %dot_general3A_237, %convert_element_type3A_183 : vector<64x128xf32>
      %dot_general3A_239 = arith.constant dense<0.000000e+00> : vector<16x128xf32>
      %dot_general3A_240 = tpu.matmul %convert_element_type3A_219, %mul3A_238, %dot_general3A_239 {dimension_numbers = #tpu.dot_dimension_numbers<[1], [0], [0], [1], [0, 0, 1, 1], [], []>, precision = #tpu.contract_precision<fp32>, transpose_lhs_hint = false} : vector<16x64xf32>, vector<64x128xf32>, vector<16x128xf32> -> vector<16x128xf32>
      %get3A_241 = arith.constant 0 : index
      %get3A_242 = arith.constant 0 : index
      %get3A_243 = vector.load %arg13[%get3A_241, %get3A_242] : memref<128x128xf32, #tpu.memory_space<vmem>>, vector<128x128xf32>
      %dot_general3A_244 = arith.constant dense<0.000000e+00> : vector<16x128xf32>
      %dot_general3A_245 = tpu.matmul %dot_general3A_240, %get3A_243, %dot_general3A_244 {dimension_numbers = #tpu.dot_dimension_numbers<[1], [0], [0], [1], [0, 0, 1, 1], [], []>, precision = #tpu.contract_precision<fp32>, transpose_lhs_hint = false} : vector<16x128xf32>, vector<128x128xf32>, vector<16x128xf32> -> vector<16x128xf32>
      %iota3A_246 = tpu.iota {dimensions = array<i32: 0>} : vector<16x128xi32>
      %iota3A_247 = tpu.iota {dimensions = array<i32: 1>} : vector<16x128xi32>
      %mul3A_248 = arith.constant 4 : i32
      %mul3A_249 = vector.broadcast %mul3A_248 : i32 to vector<16x128xi32>
      %mul3A_250 = arith.muli %mul3A_249, %iota3A_246 : vector<16x128xi32>
      %eq3A_251 = arith.cmpi eq, %iota3A_247, %mul3A_250 : vector<16x128xi32>
      %convert_element_type3A_252 = arith.extui %eq3A_251 : vector<16x128xi1> to vector<16x128xi32>
      %convert_element_type3A_253 = arith.sitofp %convert_element_type3A_252 : vector<16x128xi32> to vector<16x128xf32>
      %dot_general3A_254 = arith.constant dense<0.000000e+00> : vector<16x1xf32>
      %dot_general3A_255 = tpu.matmul %convert_element_type3A_253, %get3A_106, %dot_general3A_254 {dimension_numbers = #tpu.dot_dimension_numbers<[1], [1], [0], [0], [0, 0, 1, 0], [], []>, precision = #tpu.contract_precision<fp32>, transpose_lhs_hint = false} : vector<16x128xf32>, vector<1x128xf32>, vector<16x1xf32> -> vector<16x1xf32>
      %get3A_256 = arith.constant 0 : index
      %get3A_257 = arith.constant 0 : index
      %get3A_258 = vector.load %arg4[%get3A_256, %get3A_257] : memref<16x128xf32, #tpu.memory_space<vmem>>, vector<16x128xf32>
      %gt3A = arith.constant 0.000000e+00 : f32
      %gt3A_259 = vector.broadcast %gt3A : f32 to vector<16x1xf32>
      %gt3A_260 = arith.cmpf ogt, %dot_general3A_255, %gt3A_259 : vector<16x1xf32>
      %broadcast_in_dim3A_261 = vector.shape_cast %gt3A_260 : vector<16x1xi1> to vector<16x1xi1>
      %broadcast_in_dim3A_262 = vector.broadcast %broadcast_in_dim3A_261 : vector<16x1xi1> to vector<16x128xi1>
      %select_n3A_263 = arith.select %broadcast_in_dim3A_262, %dot_general3A_245, %get3A_258 : vector<16x128xi1>, vector<16x128xf32>
      %concatenate3A = tpu.concatenate %get3A_258, %dot_general3A_232, %select_n3A_263 in 1 : vector<16x128xf32>, vector<16x128xf32>, vector<16x128xf32> -> vector<16x384xf32>
      %reduce_sum3A_264 = arith.constant dense<0.000000e+00> : vector<16xf32>
      %reduce_sum3A_265 = vector.multi_reduction <add>, %concatenate3A, %reduce_sum3A_264 [1] : vector<16x384xf32> to vector<16xf32>
      %broadcast_in_dim3A_266 = vector.shape_cast %reduce_sum3A_265 : vector<16xf32> to vector<16x1xf32>
      %div3A_267 = arith.constant 3.840000e+02 : f32
      %div3A_268 = vector.broadcast %div3A_267 : f32 to vector<16x1xf32>
      %div3A_269 = arith.divf %broadcast_in_dim3A_266, %div3A_268 : vector<16x1xf32>
      %sub3A_270 = vector.broadcast %div3A_269 : vector<16x1xf32> to vector<16x384xf32>
      %sub3A_271 = arith.subf %concatenate3A, %sub3A_270 : vector<16x384xf32>
      %mul3A_272 = arith.mulf %sub3A_271, %sub3A_271 : vector<16x384xf32>
      %reduce_sum3A_273 = arith.constant dense<0.000000e+00> : vector<16xf32>
      %reduce_sum3A_274 = vector.multi_reduction <add>, %mul3A_272, %reduce_sum3A_273 [1] : vector<16x384xf32> to vector<16xf32>
      %broadcast_in_dim3A_275 = vector.shape_cast %reduce_sum3A_274 : vector<16xf32> to vector<16x1xf32>
      %div3A_276 = arith.constant 3.840000e+02 : f32
      %div3A_277 = vector.broadcast %div3A_276 : f32 to vector<16x1xf32>
      %div3A_278 = arith.divf %broadcast_in_dim3A_275, %div3A_277 : vector<16x1xf32>
      %add3A_279 = arith.constant 9.99999974E-6 : f32
      %add3A_280 = vector.broadcast %add3A_279 : f32 to vector<16x1xf32>
      %add3A_281 = arith.addf %div3A_278, %add3A_280 : vector<16x1xf32>
      %sqrt3A = math.sqrt %add3A_281 : vector<16x1xf32>
      %div3A_282 = vector.broadcast %sqrt3A : vector<16x1xf32> to vector<16x384xf32>
      %div3A_283 = arith.divf %sub3A_271, %div3A_282 : vector<16x384xf32>
      %get3A_284 = arith.constant 0 : index
      %get3A_285 = arith.constant 0 : index
      %get3A_286 = vector.load %arg14[%get3A_284, %get3A_285] : memref<1x384xf32, #tpu.memory_space<vmem>>, vector<1x384xf32>
      %mul3A_287 = vector.broadcast %get3A_286 : vector<1x384xf32> to vector<16x384xf32>
      %mul3A_288 = arith.mulf %div3A_283, %mul3A_287 : vector<16x384xf32>
      %get3A_289 = arith.constant 0 : index
      %get3A_290 = arith.constant 0 : index
      %get3A_291 = vector.load %arg15[%get3A_289, %get3A_290] : memref<1x384xf32, #tpu.memory_space<vmem>>, vector<1x384xf32>
      %add3A_292 = vector.broadcast %get3A_291 : vector<1x384xf32> to vector<16x384xf32>
      %add3A_293 = arith.addf %mul3A_288, %add3A_292 : vector<16x384xf32>
      %get3A_294 = arith.constant 0 : index
      %get3A_295 = arith.constant 0 : index
      %get3A_296 = vector.load %arg16[%get3A_294, %get3A_295] : memref<384x128xf32, #tpu.memory_space<vmem>>, vector<384x128xf32>
      %dot_general3A_297 = arith.constant dense<0.000000e+00> : vector<16x128xf32>
      %dot_general3A_298 = tpu.matmul %add3A_293, %get3A_296, %dot_general3A_297 {dimension_numbers = #tpu.dot_dimension_numbers<[1], [0], [0], [1], [0, 0, 1, 1], [], []>, precision = #tpu.contract_precision<fp32>, transpose_lhs_hint = false} : vector<16x384xf32>, vector<384x128xf32>, vector<16x128xf32> -> vector<16x128xf32>
      %get3A_299 = arith.constant 0 : index
      %get3A_300 = arith.constant 0 : index
      %get3A_301 = vector.load %arg17[%get3A_299, %get3A_300] : memref<1x128xf32, #tpu.memory_space<vmem>>, vector<1x128xf32>
      %add3A_302 = vector.broadcast %get3A_301 : vector<1x128xf32> to vector<16x128xf32>
      %add3A_303 = arith.addf %dot_general3A_298, %add3A_302 : vector<16x128xf32>
      %max3A = arith.constant 0.000000e+00 : f32
      %max3A_304 = vector.broadcast %max3A : f32 to vector<16x128xf32>
      %max3A_305 = arith.maximumf %add3A_303, %max3A_304 : vector<16x128xf32>
      %get3A_306 = arith.constant 0 : index
      %get3A_307 = arith.constant 0 : index
      %get3A_308 = vector.load %arg18[%get3A_306, %get3A_307] : memref<128x128xf32, #tpu.memory_space<vmem>>, vector<128x128xf32>
      %dot_general3A_309 = arith.constant dense<0.000000e+00> : vector<16x128xf32>
      %dot_general3A_310 = tpu.matmul %max3A_305, %get3A_308, %dot_general3A_309 {dimension_numbers = #tpu.dot_dimension_numbers<[1], [0], [0], [1], [0, 0, 1, 1], [], []>, precision = #tpu.contract_precision<fp32>, transpose_lhs_hint = false} : vector<16x128xf32>, vector<128x128xf32>, vector<16x128xf32> -> vector<16x128xf32>
      %get3A_311 = arith.constant 0 : index
      %get3A_312 = arith.constant 0 : index
      %get3A_313 = vector.load %arg19[%get3A_311, %get3A_312] : memref<1x128xf32, #tpu.memory_space<vmem>>, vector<1x128xf32>
      %add3A_314 = vector.broadcast %get3A_313 : vector<1x128xf32> to vector<16x128xf32>
      %add3A_315 = arith.addf %dot_general3A_310, %add3A_314 : vector<16x128xf32>
      %get3A_316 = arith.constant 0 : index
      %get3A_317 = arith.constant 0 : index
      %get3A_318 = vector.load %arg20[%get3A_316, %get3A_317] : memref<128x256xf32, #tpu.memory_space<vmem>>, vector<128x256xf32>
      %dot_general3A_319 = arith.constant dense<0.000000e+00> : vector<16x256xf32>
      %dot_general3A_320 = tpu.matmul %add3A_315, %get3A_318, %dot_general3A_319 {dimension_numbers = #tpu.dot_dimension_numbers<[1], [0], [0], [1], [0, 0, 1, 1], [], []>, precision = #tpu.contract_precision<fp32>, transpose_lhs_hint = false} : vector<16x128xf32>, vector<128x256xf32>, vector<16x256xf32> -> vector<16x256xf32>
      %get3A_321 = arith.constant 0 : index
      %get3A_322 = arith.constant 0 : index
      %get3A_323 = vector.load %arg21[%get3A_321, %get3A_322] : memref<1x256xf32, #tpu.memory_space<vmem>>, vector<1x256xf32>
      %add3A_324 = vector.broadcast %get3A_323 : vector<1x256xf32> to vector<16x256xf32>
      %add3A_325 = arith.addf %dot_general3A_320, %add3A_324 : vector<16x256xf32>
      %max3A_326 = arith.constant 0.000000e+00 : f32
      %max3A_327 = vector.broadcast %max3A_326 : f32 to vector<16x256xf32>
      %max3A_328 = arith.maximumf %add3A_325, %max3A_327 : vector<16x256xf32>
      %get3A_329 = arith.constant 0 : index
      %get3A_330 = arith.constant 0 : index
      %get3A_331 = vector.load %arg22[%get3A_329, %get3A_330] : memref<256x128xf32, #tpu.memory_space<vmem>>, vector<256x128xf32>
      %dot_general3A_332 = arith.constant dense<0.000000e+00> : vector<16x128xf32>
      %dot_general3A_333 = tpu.matmul %max3A_328, %get3A_331, %dot_general3A_332 {dimension_numbers = #tpu.dot_dimension_numbers<[1], [0], [0], [1], [0, 0, 1, 1], [], []>, precision = #tpu.contract_precision<fp32>, transpose_lhs_hint = false} : vector<16x256xf32>, vector<256x128xf32>, vector<16x128xf32> -> vector<16x128xf32>
      %get3A_334 = arith.constant 0 : index
      %get3A_335 = arith.constant 0 : index
      %get3A_336 = vector.load %arg23[%get3A_334, %get3A_335] : memref<1x128xf32, #tpu.memory_space<vmem>>, vector<1x128xf32>
      %add3A_337 = vector.broadcast %get3A_336 : vector<1x128xf32> to vector<16x128xf32>
      %add3A_338 = arith.addf %dot_general3A_333, %add3A_337 : vector<16x128xf32>
      %swap3A_339 = arith.constant 0 : index
      %swap3A_340 = arith.constant 0 : index
      %swap3A_341 = vector.load %arg26[%swap3A_339, %swap3A_340] : memref<16x128xf32, #tpu.memory_space<vmem>>, vector<16x128xf32>
      tpu.vector_store %arg26[%swap3A_339, %swap3A_340], %add3A_338 {strides = array<i32>} : memref<16x128xf32, #tpu.memory_space<vmem>>, vector<16x128xf32>,
    } else {
    }
    return
  }
  func.func @transform_0(%arg0: i32) -> (i32, i32) {
    %c0_i32 = arith.constant 0 : i32
    %c0_i32_0 = arith.constant 0 : i32
    return %arg0, %c0_i32 : i32, i32
  }
  func.func @transform_1(%arg0: i32) -> (i32, i32, i32) {
    %c0_i32 = arith.constant 0 : i32
    %c0_i32_0 = arith.constant 0 : i32
    %c0_i32_1 = arith.constant 0 : i32
    return %arg0, %c0_i32, %c0_i32_0 : i32, i32, i32
  }
  func.func @transform_2(%arg0: i32) -> (i32, i32, i32) {
    %c0_i32 = arith.constant 0 : i32
    %c0_i32_0 = arith.constant 0 : i32
    %c0_i32_1 = arith.constant 0 : i32
    return %arg0, %c0_i32, %c0_i32_0 : i32, i32, i32
  }
  func.func @transform_3(%arg0: i32) -> (i32, i32) {
    %c0_i32 = arith.constant 0 : i32
    %c0_i32_0 = arith.constant 0 : i32
    %c0_i32_1 = arith.constant 0 : i32
    return %c0_i32, %c0_i32_0 : i32, i32
  }
  func.func @transform_4(%arg0: i32) -> (i32, i32) {
    %c0_i32 = arith.constant 0 : i32
    %c0_i32_0 = arith.constant 0 : i32
    %c0_i32_1 = arith.constant 0 : i32
    return %c0_i32, %c0_i32_0 : i32, i32
  }
  func.func @transform_5(%arg0: i32) -> (i32, i32) {
    %c0_i32 = arith.constant 0 : i32
    %c0_i32_0 = arith.constant 0 : i32
    %c0_i32_1 = arith.constant 0 : i32
    return %c0_i32, %c0_i32_0 : i32, i32
  }
  func.func @transform_6(%arg0: i32) -> (i32, i32) {
    %c0_i32 = arith.constant 0 : i32
    %c0_i32_0 = arith.constant 0 : i32
    %c0_i32_1 = arith.constant 0 : i32
    return %c0_i32, %c0_i32_0 : i32, i32
  }
  func.func @transform_7(%arg0: i32) -> (i32, i32) {
    %c0_i32 = arith.constant 0 : i32
    %c0_i32_0 = arith.constant 0 : i32
    %c0_i32_1 = arith.constant 0 : i32
    return %c0_i32, %c0_i32_0 : i32, i32
  }
  func.func @transform_8(%arg0: i32) -> (i32, i32) {
    %c0_i32 = arith.constant 0 : i32
    %c0_i32_0 = arith.constant 0 : i32
    %c0_i32_1 = arith.constant 0 : i32
    return %c0_i32, %c0_i32_0 : i32, i32
  }
  func.func @transform_9(%arg0: i32) -> (i32, i32) {
    %c0_i32 = arith.constant 0 : i32
    %c0_i32_0 = arith.constant 0 : i32
    %c0_i32_1 = arith.constant 0 : i32
    return %c0_i32, %c0_i32_0 : i32, i32
  }
  func.func @transform_10(%arg0: i32) -> (i32, i32) {
    %c0_i32 = arith.constant 0 : i32
    %c0_i32_0 = arith.constant 0 : i32
    %c0_i32_1 = arith.constant 0 : i32
    return %c0_i32, %c0_i32_0 : i32, i32
  }
  func.func @transform_11(%arg0: i32) -> (i32, i32) {
    %c0_i32 = arith.constant 0 : i32
    %c0_i32_0 = arith.constant 0 : i32
    %c0_i32_1 = arith.constant 0 : i32
    return %c0_i32, %c0_i32_0 : i32, i32
  }
  func.func @transform_12(%arg0: i32) -> (i32, i32) {
    %c0_i32 = arith.constant 0 : i32
    %c0_i32_0 = arith.constant 0 : i32
    %c0_i32_1 = arith.constant 0 : i32
    return %c0_i32, %c0_i32_0 : i32, i32
  }
  func.func @transform_13(%arg0: i32) -> (i32, i32) {
    %c0_i32 = arith.constant 0 : i32
    %c0_i32_0 = arith.constant 0 : i32
    %c0_i32_1 = arith.constant 0 : i32
    return %c0_i32, %c0_i32_0 : i32, i32
  }
  func.func @transform_14(%arg0: i32) -> (i32, i32) {
    %c0_i32 = arith.constant 0 : i32
    %c0_i32_0 = arith.constant 0 : i32
    %c0_i32_1 = arith.constant 0 : i32
    return %c0_i32, %c0_i32_0 : i32, i32
  }
  func.func @transform_15(%arg0: i32) -> (i32, i32) {
    %c0_i32 = arith.constant 0 : i32
    %c0_i32_0 = arith.constant 0 : i32
    %c0_i32_1 = arith.constant 0 : i32
    return %c0_i32, %c0_i32_0 : i32, i32
  }
  func.func @transform_16(%arg0: i32) -> (i32, i32) {
    %c0_i32 = arith.constant 0 : i32
    %c0_i32_0 = arith.constant 0 : i32
    %c0_i32_1 = arith.constant 0 : i32
    return %c0_i32, %c0_i32_0 : i32, i32
  }
  func.func @transform_17(%arg0: i32) -> (i32, i32) {
    %c0_i32 = arith.constant 0 : i32
    %c0_i32_0 = arith.constant 0 : i32
    %c0_i32_1 = arith.constant 0 : i32
    return %c0_i32, %c0_i32_0 : i32, i32
  }
  func.func @transform_18(%arg0: i32) -> (i32, i32) {
    %c0_i32 = arith.constant 0 : i32
    %c0_i32_0 = arith.constant 0 : i32
    %c0_i32_1 = arith.constant 0 : i32
    return %c0_i32, %c0_i32_0 : i32, i32
  }
  func.func @transform_19(%arg0: i32) -> (i32, i32) {
    %c0_i32 = arith.constant 0 : i32
    %c0_i32_0 = arith.constant 0 : i32
    %c0_i32_1 = arith.constant 0 : i32
    return %c0_i32, %c0_i32_0 : i32, i32
  }
  func.func @transform_20(%arg0: i32) -> (i32, i32) {
    %c0_i32 = arith.constant 0 : i32
    %c0_i32_0 = arith.constant 0 : i32
    %c0_i32_1 = arith.constant 0 : i32
    return %c0_i32, %c0_i32_0 : i32, i32
  }
  func.func @transform_21(%arg0: i32) -> (i32, i32) {
    %c0_i32 = arith.constant 0 : i32
    %c0_i32_0 = arith.constant 0 : i32
    %c0_i32_1 = arith.constant 0 : i32
    return %c0_i32, %c0_i32_0 : i32, i32
  }
  func.func @transform_22(%arg0: i32) -> (i32, i32) {
    %c0_i32 = arith.constant 0 : i32
    %c0_i32_0 = arith.constant 0 : i32
    %c0_i32_1 = arith.constant 0 : i32
    return %c0_i32, %c0_i32_0 : i32, i32
  }
  func.func @transform_23(%arg0: i32) -> (i32, i32) {
    %c0_i32 = arith.constant 0 : i32
    %c0_i32_0 = arith.constant 0 : i32
    %c0_i32_1 = arith.constant 0 : i32
    return %c0_i32, %c0_i32_0 : i32, i32
  }
  func.func @transform_24(%arg0: i32) -> (i32, i32) {
    %c0_i32 = arith.constant 0 : i32
    %c0_i32_0 = arith.constant 0 : i32
    %c0_i32_1 = arith.constant 0 : i32
    return %c0_i32, %c0_i32_0 : i32, i32
  }
  func.func @transform_25(%arg0: i32) -> (i32, i32) {
    %c0_i32 = arith.constant 0 : i32
    %c0_i32_0 = arith.constant 0 : i32
    %c0_i32_1 = arith.constant 0 : i32
    return %c0_i32, %c0_i32_0 : i32, i32
  }
}

module attributes {stable_mosaic.version = 14 : i64} {
  func.func @_tc_body1(%arg0: i32, %arg1: memref<2048x128xf32, #tpu.memory_space<vmem>>, %arg2: memref<1x1x2048xi32, #tpu.memory_space<vmem>>, %arg3: memref<1x1x2048xf32, #tpu.memory_space<vmem>>, %arg4: memref<16x128xf32, #tpu.memory_space<vmem>>, %arg5: memref<1x128xf32, #tpu.memory_space<vmem>>, %arg6: memref<128x128xf32, #tpu.memory_space<vmem>>, %arg7: memref<128x128xf32, #tpu.memory_space<vmem>>, %arg8: memref<128x128xf32, #tpu.memory_space<vmem>>, %arg9: memref<128x128xf32, #tpu.memory_space<vmem>>, %arg10: memref<1x128xf32, #tpu.memory_space<vmem>>, %arg11: memref<128x128xf32, #tpu.memory_space<vmem>>, %arg12: memref<128x128xf32, #tpu.memory_space<vmem>>, %arg13: memref<1x128xf32, #tpu.memory_space<vmem>>, %arg14: memref<128x128xf32, #tpu.memory_space<vmem>>) attributes {dimension_semantics = [#tpu.dimension_semantics<arbitrary>], iteration_bounds = array<i64: 8>, scalar_prefetch = 0 : i64, scratch_operands = 3 : i64, tpu.core_type = #tpu.core_type<tc>, window_params = [{transform_indices = @transform_0, window_bounds = array<i64: 2048, 128>}, {transform_indices = @transform_1, window_bounds = array<i64: 1, 1, 2048>}, {transform_indices = @transform_2, window_bounds = array<i64: 1, 1, 2048>}, {pipeline_mode = #tpu.pipeline_mode<synchronous>, transform_indices = @transform_3, window_bounds = array<i64: 16, 128>}, {pipeline_mode = #tpu.pipeline_mode<synchronous>, transform_indices = @transform_4, window_bounds = array<i64: 1, 128>}, {pipeline_mode = #tpu.pipeline_mode<synchronous>, transform_indices = @transform_5, window_bounds = array<i64: 128, 128>}, {pipeline_mode = #tpu.pipeline_mode<synchronous>, transform_indices = @transform_6, window_bounds = array<i64: 128, 128>}, {pipeline_mode = #tpu.pipeline_mode<synchronous>, transform_indices = @transform_7, window_bounds = array<i64: 128, 128>}, {pipeline_mode = #tpu.pipeline_mode<synchronous>, transform_indices = @transform_8, window_bounds = array<i64: 128, 128>}, {pipeline_mode = #tpu.pipeline_mode<synchronous>, transform_indices = @transform_9, window_bounds = array<i64: 1, 128>}, {pipeline_mode = #tpu.pipeline_mode<synchronous>, transform_indices = @transform_10, window_bounds = array<i64: 128, 128>}]} {
    %eq3A = arith.constant 0 : i32
    %eq3A_0 = arith.cmpi eq, %arg0, %eq3A : i32
    %convert_element_type3A = arith.extui %eq3A_0 : i1 to i32
    %cond3A = arith.constant 0 : i32
    %cond3A_1 = arith.cmpi ne, %convert_element_type3A, %cond3A : i32
    scf.if %cond3A_1 {
      %get3A_104 = arith.constant 0 : index
      %get3A_105 = arith.constant 0 : index
      %get3A_106 = vector.load %arg5[%get3A_104, %get3A_105] : memref<1x128xf32, #tpu.memory_space<vmem>>, vector<1x128xf32>
      %get3A_107 = arith.constant 0 : index
      %get3A_108 = arith.constant 0 : index
      %get3A_109 = vector.load %arg6[%get3A_107, %get3A_108] : memref<128x128xf32, #tpu.memory_space<vmem>>, vector<128x128xf32>
      %get3A_110 = arith.constant 0 : index
      %get3A_111 = arith.constant 0 : index
      %get3A_112 = vector.load %arg7[%get3A_110, %get3A_111] : memref<128x128xf32, #tpu.memory_space<vmem>>, vector<128x128xf32>
      %get3A_113 = arith.constant 0 : index
      %get3A_114 = arith.constant 0 : index
      %get3A_115 = vector.load %arg4[%get3A_113, %get3A_114] : memref<16x128xf32, #tpu.memory_space<vmem>>, vector<16x128xf32>
      %get3A_116 = arith.constant 0 : index
      %get3A_117 = arith.constant 0 : index
      %get3A_118 = vector.load %arg8[%get3A_116, %get3A_117] : memref<128x128xf32, #tpu.memory_space<vmem>>, vector<128x128xf32>
      %get3A_119 = arith.constant 0 : index
      %get3A_120 = arith.constant 0 : index
      %get3A_121 = vector.load %arg9[%get3A_119, %get3A_120] : memref<128x128xf32, #tpu.memory_space<vmem>>, vector<128x128xf32>
      %dot_general3A_122 = arith.constant dense<0.000000e+00> : vector<1x128xf32>
      %dot_general3A_123 = tpu.matmul %get3A_106, %get3A_109, %dot_general3A_122 {dimension_numbers = #tpu.dot_dimension_numbers<[1], [0], [0], [1], [0, 0, 1, 1], [], []>, precision = #tpu.contract_precision<fp32>, transpose_lhs_hint = false} : vector<1x128xf32>, vector<128x128xf32>, vector<1x128xf32> -> vector<1x128xf32>
      %iota3A_124 = tpu.iota {dimensions = array<i32: 0>} : vector<128x64xi32>
      %iota3A_125 = tpu.iota {dimensions = array<i32: 1>} : vector<128x64xi32>
      %jit3A_126 = arith.constant 32 : i32
      %div3A_127 = vector.broadcast %jit3A_126 : i32 to vector<128x64xi32>
      %div3A_128 = arith.divsi %iota3A_124, %div3A_127 : vector<128x64xi32>
      %sign3A_129 = arith.constant 0 : i32
      %sign3A_130 = vector.broadcast %sign3A_129 : i32 to vector<128x64xi32>
      %sign3A_131 = arith.cmpi sgt, %iota3A_124, %sign3A_130 : vector<128x64xi32>
      %sign3A_132 = arith.extui %sign3A_131 : vector<128x64xi1> to vector<128x64xi32>
      %sign3A_133 = arith.constant 0 : i32
      %sign3A_134 = vector.broadcast %sign3A_133 : i32 to vector<128x64xi32>
      %sign3A_135 = arith.cmpi slt, %iota3A_124, %sign3A_134 : vector<128x64xi32>
      %sign3A_136 = arith.extui %sign3A_135 : vector<128x64xi1> to vector<128x64xi32>
      %sign3A_137 = arith.subi %sign3A_132, %sign3A_136 : vector<128x64xi32>
      %sign3A_138 = arith.constant 0 : i32
      %sign3A_139 = arith.cmpi sgt, %jit3A_126, %sign3A_138 : i32
      %sign3A_140 = arith.extui %sign3A_139 : i1 to i32
      %sign3A_141 = arith.constant 0 : i32
      %sign3A_142 = arith.cmpi slt, %jit3A_126, %sign3A_141 : i32
      %sign3A_143 = arith.extui %sign3A_142 : i1 to i32
      %sign3A_144 = arith.subi %sign3A_140, %sign3A_143 : i32
      %ne3A_145 = vector.broadcast %sign3A_144 : i32 to vector<128x64xi32>
      %ne3A_146 = arith.cmpi ne, %sign3A_137, %ne3A_145 : vector<128x64xi32>
      %rem3A_147 = vector.broadcast %jit3A_126 : i32 to vector<128x64xi32>
      %rem3A_148 = arith.remsi %iota3A_124, %rem3A_147 : vector<128x64xi32>
      %ne3A_149 = arith.constant 0 : i32
      %ne3A_150 = vector.broadcast %ne3A_149 : i32 to vector<128x64xi32>
      %ne3A_151 = arith.cmpi ne, %rem3A_148, %ne3A_150 : vector<128x64xi32>
      %and3A_152 = arith.andi %ne3A_146, %ne3A_151 : vector<128x64xi1>
      %sub3A_153 = arith.constant 1 : i32
      %sub3A_154 = vector.broadcast %sub3A_153 : i32 to vector<128x64xi32>
      %sub3A_155 = arith.subi %div3A_128, %sub3A_154 : vector<128x64xi32>
      %select_n3A_156 = arith.select %and3A_152, %sub3A_155, %div3A_128 : vector<128x64xi1>, vector<128x64xi32>
      %jit3A_157 = arith.constant 4 : i32
      %eq3A_158 = arith.constant 0 : i32
      %eq3A_159 = arith.cmpi eq, %jit3A_157, %eq3A_158 : i32
      %jit3A_160 = arith.constant 1 : i32
      %select_n3A_161 = arith.select %eq3A_159, %jit3A_160, %jit3A_157 : i32
      %rem3A_162 = vector.broadcast %select_n3A_161 : i32 to vector<128x64xi32>
      %rem3A_163 = arith.remsi %iota3A_125, %rem3A_162 : vector<128x64xi32>
      %ne3A_164 = arith.constant 0 : i32
      %ne3A_165 = vector.broadcast %ne3A_164 : i32 to vector<128x64xi32>
      %ne3A_166 = arith.cmpi ne, %rem3A_163, %ne3A_165 : vector<128x64xi32>
      %lt3A_167 = arith.constant 0 : i32
      %lt3A_168 = vector.broadcast %lt3A_167 : i32 to vector<128x64xi32>
      %lt3A_169 = arith.cmpi slt, %rem3A_163, %lt3A_168 : vector<128x64xi32>
      %lt3A_170 = arith.constant 0 : i32
      %lt3A_171 = arith.cmpi slt, %select_n3A_161, %lt3A_170 : i32
      %ne3A_172 = vector.broadcast %lt3A_171 : i1 to vector<128x64xi1>
      %ne3A_173 = vector.broadcast %ne3A_172 : vector<128x64xi1> to vector<128x64xi1>
      %ne3A_174 = arith.xori %lt3A_169, %ne3A_173 : vector<128x64xi1>
      %and3A_175 = arith.andi %ne3A_174, %ne3A_166 : vector<128x64xi1>
      %add3A_176 = vector.broadcast %select_n3A_161 : i32 to vector<128x64xi32>
      %add3A_177 = arith.addi %rem3A_163, %add3A_176 : vector<128x64xi32>
      %select_n3A_178 = arith.select %and3A_175, %add3A_177, %rem3A_163 : vector<128x64xi1>, vector<128x64xi32>
      %eq3A_179 = arith.cmpi eq, %select_n3A_156, %select_n3A_178 : vector<128x64xi32>
      %convert_element_type3A_180 = arith.extui %eq3A_179 : vector<128x64xi1> to vector<128x64xi32>
      %convert_element_type3A_181 = arith.sitofp %convert_element_type3A_180 : vector<128x64xi32> to vector<128x64xf32>
      %mul3A_182 = vector.broadcast %dot_general3A_123 : vector<1x128xf32> to vector<128x128xf32>
      %mul3A_183 = arith.mulf %get3A_112, %mul3A_182 : vector<128x128xf32>
      %dot_general3A_184 = arith.constant dense<0.000000e+00> : vector<128x64xf32>
      %dot_general3A_185 = tpu.matmul %mul3A_183, %convert_element_type3A_181, %dot_general3A_184 {dimension_numbers = #tpu.dot_dimension_numbers<[1], [0], [0], [1], [0, 0, 1, 1], [], []>, precision = #tpu.contract_precision<fp32>, transpose_lhs_hint = false} : vector<128x128xf32>, vector<128x64xf32>, vector<128x64xf32> -> vector<128x64xf32>
      %dot_general3A_186 = arith.constant dense<0.000000e+00> : vector<16x128xf32>
      %dot_general3A_187 = tpu.matmul %get3A_115, %get3A_118, %dot_general3A_186 {dimension_numbers = #tpu.dot_dimension_numbers<[1], [0], [0], [1], [0, 0, 1, 1], [], []>, precision = #tpu.contract_precision<fp32>, transpose_lhs_hint = false} : vector<16x128xf32>, vector<128x128xf32>, vector<16x128xf32> -> vector<16x128xf32>
      %iota3A_188 = tpu.iota {dimensions = array<i32: 0>} : vector<128x128xi32>
      %iota3A_189 = tpu.iota {dimensions = array<i32: 1>} : vector<128x128xi32>
      %eq3A_190 = arith.cmpi eq, %iota3A_188, %iota3A_189 : vector<128x128xi32>
      %convert_element_type3A_191 = arith.extui %eq3A_190 : vector<128x128xi1> to vector<128x128xi32>
      %convert_element_type3A_192 = arith.sitofp %convert_element_type3A_191 : vector<128x128xi32> to vector<128x128xf32>
      %dot_general3A_193 = arith.constant dense<0.000000e+00> : vector<128x16xf32>
      %dot_general3A_194 = tpu.matmul %convert_element_type3A_192, %dot_general3A_187, %dot_general3A_193 {dimension_numbers = #tpu.dot_dimension_numbers<[1], [1], [0], [0], [0, 0, 1, 0], [], []>, precision = #tpu.contract_precision<fp32>, transpose_lhs_hint = false} : vector<128x128xf32>, vector<16x128xf32>, vector<128x16xf32> -> vector<128x16xf32>
      %iota3A_195 = tpu.iota {dimensions = array<i32: 0>} : vector<16x64xi32>
      %iota3A_196 = tpu.iota {dimensions = array<i32: 1>} : vector<16x64xi32>
      %jit3A_197 = arith.constant 4 : i32
      %div3A_198 = vector.broadcast %jit3A_197 : i32 to vector<16x64xi32>
      %div3A_199 = arith.divsi %iota3A_196, %div3A_198 : vector<16x64xi32>
      %sign3A_200 = arith.constant 0 : i32
      %sign3A_201 = vector.broadcast %sign3A_200 : i32 to vector<16x64xi32>
      %sign3A_202 = arith.cmpi sgt, %iota3A_196, %sign3A_201 : vector<16x64xi32>
      %sign3A_203 = arith.extui %sign3A_202 : vector<16x64xi1> to vector<16x64xi32>
      %sign3A_204 = arith.constant 0 : i32
      %sign3A_205 = vector.broadcast %sign3A_204 : i32 to vector<16x64xi32>
      %sign3A_206 = arith.cmpi slt, %iota3A_196, %sign3A_205 : vector<16x64xi32>
      %sign3A_207 = arith.extui %sign3A_206 : vector<16x64xi1> to vector<16x64xi32>
      %sign3A_208 = arith.subi %sign3A_203, %sign3A_207 : vector<16x64xi32>
      %sign3A_209 = arith.constant 0 : i32
      %sign3A_210 = arith.cmpi sgt, %jit3A_197, %sign3A_209 : i32
      %sign3A_211 = arith.extui %sign3A_210 : i1 to i32
      %sign3A_212 = arith.constant 0 : i32
      %sign3A_213 = arith.cmpi slt, %jit3A_197, %sign3A_212 : i32
      %sign3A_214 = arith.extui %sign3A_213 : i1 to i32
      %sign3A_215 = arith.subi %sign3A_211, %sign3A_214 : i32
      %ne3A_216 = vector.broadcast %sign3A_215 : i32 to vector<16x64xi32>
      %ne3A_217 = arith.cmpi ne, %sign3A_208, %ne3A_216 : vector<16x64xi32>
      %rem3A_218 = vector.broadcast %jit3A_197 : i32 to vector<16x64xi32>
      %rem3A_219 = arith.remsi %iota3A_196, %rem3A_218 : vector<16x64xi32>
      %ne3A_220 = arith.constant 0 : i32
      %ne3A_221 = vector.broadcast %ne3A_220 : i32 to vector<16x64xi32>
      %ne3A_222 = arith.cmpi ne, %rem3A_219, %ne3A_221 : vector<16x64xi32>
      %and3A_223 = arith.andi %ne3A_217, %ne3A_222 : vector<16x64xi1>
      %sub3A_224 = arith.constant 1 : i32
      %sub3A_225 = vector.broadcast %sub3A_224 : i32 to vector<16x64xi32>
      %sub3A_226 = arith.subi %div3A_199, %sub3A_225 : vector<16x64xi32>
      %select_n3A_227 = arith.select %and3A_223, %sub3A_226, %div3A_199 : vector<16x64xi1>, vector<16x64xi32>
      %eq3A_228 = arith.cmpi eq, %select_n3A_227, %iota3A_195 : vector<16x64xi32>
      %convert_element_type3A_229 = arith.extui %eq3A_228 : vector<16x64xi1> to vector<16x64xi32>
      %convert_element_type3A_230 = arith.sitofp %convert_element_type3A_229 : vector<16x64xi32> to vector<16x64xf32>
      %dot_general3A_231 = arith.constant dense<0.000000e+00> : vector<128x64xf32>
      %dot_general3A_232 = tpu.matmul %dot_general3A_194, %convert_element_type3A_230, %dot_general3A_231 {dimension_numbers = #tpu.dot_dimension_numbers<[1], [0], [0], [1], [0, 0, 1, 1], [], []>, precision = #tpu.contract_precision<fp32>, transpose_lhs_hint = false} : vector<128x16xf32>, vector<16x64xf32>, vector<128x64xf32> -> vector<128x64xf32>
      %mul3A_233 = arith.mulf %dot_general3A_232, %convert_element_type3A_181 : vector<128x64xf32>
      %dot_general3A_234 = arith.constant dense<0.000000e+00> : vector<128x64xf32>
      %dot_general3A_235 = tpu.matmul %get3A_121, %mul3A_233, %dot_general3A_234 {dimension_numbers = #tpu.dot_dimension_numbers<[1], [0], [0], [1], [0, 0, 1, 1], [], []>, precision = #tpu.contract_precision<fp32>, transpose_lhs_hint = false} : vector<128x128xf32>, vector<128x64xf32>, vector<128x64xf32> -> vector<128x64xf32>
      %concatenate3A = tpu.concatenate %dot_general3A_185, %dot_general3A_235 in 1 : vector<128x64xf32>, vector<128x64xf32> -> vector<128x128xf32>
      %mul3A_236 = arith.constant 0.176776692 : f32
      %mul3A_237 = vector.broadcast %mul3A_236 : f32 to vector<128x128xf32>
      %mul3A_238 = arith.mulf %concatenate3A, %mul3A_237 : vector<128x128xf32>
      %swap3A_239 = arith.constant 0 : index
      %swap3A_240 = arith.constant 0 : index
      %swap3A_241 = vector.load %arg12[%swap3A_239, %swap3A_240] : memref<128x128xf32, #tpu.memory_space<vmem>>, vector<128x128xf32>
      tpu.vector_store %arg12[%swap3A_239, %swap3A_240], %mul3A_238 {strides = array<i32>} : memref<128x128xf32, #tpu.memory_space<vmem>>, vector<128x128xf32>,
      %broadcast_in_dim3A_242 = arith.constant 0.000000e+00 : f32
      %broadcast_in_dim3A_243 = vector.broadcast %broadcast_in_dim3A_242 : f32 to vector<1x128xf32>
      %swap3A_244 = arith.constant 0 : index
      %swap3A_245 = arith.constant 0 : index
      %swap3A_246 = vector.load %arg13[%swap3A_244, %swap3A_245] : memref<1x128xf32, #tpu.memory_space<vmem>>, vector<1x128xf32>
      tpu.vector_store %arg13[%swap3A_244, %swap3A_245], %broadcast_in_dim3A_243 {strides = array<i32>} : memref<1x128xf32, #tpu.memory_space<vmem>>, vector<1x128xf32>,
      %broadcast_in_dim3A_247 = arith.constant 0.000000e+00 : f32
      %broadcast_in_dim3A_248 = vector.broadcast %broadcast_in_dim3A_247 : f32 to vector<128x128xf32>
      %swap3A_249 = arith.constant 0 : index
      %swap3A_250 = arith.constant 0 : index
      %swap3A_251 = vector.load %arg14[%swap3A_249, %swap3A_250] : memref<128x128xf32, #tpu.memory_space<vmem>>, vector<128x128xf32>
      tpu.vector_store %arg14[%swap3A_249, %swap3A_250], %broadcast_in_dim3A_248 {strides = array<i32>} : memref<128x128xf32, #tpu.memory_space<vmem>>, vector<128x128xf32>,
    } else {
    }
    %get3A = arith.constant 0 : index
    %get3A_2 = arith.constant 0 : index
    %get3A_3 = vector.load %arg1[%get3A, %get3A_2] : memref<2048x128xf32, #tpu.memory_space<vmem>>, vector<2048x128xf32>
    %get3A_4 = arith.constant 0 : index
    %get3A_5 = arith.constant 0 : index
    %get3A_6 = arith.constant 0 : index
    %get3A_7 = vector.load %arg2[%get3A_4, %get3A_5, %get3A_6] : memref<1x1x2048xi32, #tpu.memory_space<vmem>>, vector<1x1x2048xi32>
    %get3A_8 = vector.shape_cast %get3A_7 : vector<1x1x2048xi32> to vector<1x2048xi32>
    %convert_element_type3A_9 = arith.sitofp %get3A_8 : vector<1x2048xi32> to vector<1x2048xf32>
    %get3A_10 = arith.constant 0 : index
    %get3A_11 = arith.constant 0 : index
    %get3A_12 = arith.constant 0 : index
    %get3A_13 = vector.load %arg3[%get3A_10, %get3A_11, %get3A_12] : memref<1x1x2048xf32, #tpu.memory_space<vmem>>, vector<1x1x2048xf32>
    %get3A_14 = vector.shape_cast %get3A_13 : vector<1x1x2048xf32> to vector<1x2048xf32>
    %add3A = arith.constant 9.99999993E-9 : f32
    %add3A_15 = vector.broadcast %add3A : f32 to vector<1x2048xf32>
    %add3A_16 = arith.addf %get3A_14, %add3A_15 : vector<1x2048xf32>
    %broadcast_in_dim3A = arith.constant 1.000000e+00 : f32
    %broadcast_in_dim3A_17 = vector.broadcast %broadcast_in_dim3A : f32 to vector<1x16xf32>
    %dot_general3A = arith.constant dense<0.000000e+00> : vector<2048x16xf32>
    %dot_general3A_18 = tpu.matmul %convert_element_type3A_9, %broadcast_in_dim3A_17, %dot_general3A {dimension_numbers = #tpu.dot_dimension_numbers<[0], [0], [1], [1], [0, 1, 1, 1], [], []>, transpose_lhs_hint = false} : vector<1x2048xf32>, vector<1x16xf32>, vector<2048x16xf32> -> vector<2048x16xf32>
    %dot_general3A_19 = arith.constant dense<0.000000e+00> : vector<2048x16xf32>
    %dot_general3A_20 = tpu.matmul %add3A_16, %broadcast_in_dim3A_17, %dot_general3A_19 {dimension_numbers = #tpu.dot_dimension_numbers<[0], [0], [1], [1], [0, 1, 1, 1], [], []>, transpose_lhs_hint = false} : vector<1x2048xf32>, vector<1x16xf32>, vector<2048x16xf32> -> vector<2048x16xf32>
    %iota3A = tpu.iota {dimensions = array<i32: 1>} : vector<2048x16xi32>
    %convert_element_type3A_21 = arith.sitofp %iota3A : vector<2048x16xi32> to vector<2048x16xf32>
    %eq3A_22 = arith.cmpf oeq, %dot_general3A_18, %convert_element_type3A_21 : vector<2048x16xf32>
    %jit3A = arith.constant 0.000000e+00 : f32
    %broadcast_in_dim3A_23 = vector.broadcast %jit3A : f32 to vector<2048x16xf32>
    %select_n3A = arith.select %eq3A_22, %dot_general3A_20, %broadcast_in_dim3A_23 : vector<2048x16xi1>, vector<2048x16xf32>
    %iota3A_24 = tpu.iota {dimensions = array<i32: 0>} : vector<16x128xi32>
    %iota3A_25 = tpu.iota {dimensions = array<i32: 1>} : vector<16x128xi32>
    %jit3A_26 = arith.constant 4 : i32
    %div3A = vector.broadcast %jit3A_26 : i32 to vector<16x128xi32>
    %div3A_27 = arith.divsi %iota3A_25, %div3A : vector<16x128xi32>
    %sign3A = arith.constant 0 : i32
    %sign3A_28 = vector.broadcast %sign3A : i32 to vector<16x128xi32>
    %sign3A_29 = arith.cmpi sgt, %iota3A_25, %sign3A_28 : vector<16x128xi32>
    %sign3A_30 = arith.extui %sign3A_29 : vector<16x128xi1> to vector<16x128xi32>
    %sign3A_31 = arith.constant 0 : i32
    %sign3A_32 = vector.broadcast %sign3A_31 : i32 to vector<16x128xi32>
    %sign3A_33 = arith.cmpi slt, %iota3A_25, %sign3A_32 : vector<16x128xi32>
    %sign3A_34 = arith.extui %sign3A_33 : vector<16x128xi1> to vector<16x128xi32>
    %sign3A_35 = arith.subi %sign3A_30, %sign3A_34 : vector<16x128xi32>
    %sign3A_36 = arith.constant 0 : i32
    %sign3A_37 = arith.cmpi sgt, %jit3A_26, %sign3A_36 : i32
    %sign3A_38 = arith.extui %sign3A_37 : i1 to i32
    %sign3A_39 = arith.constant 0 : i32
    %sign3A_40 = arith.cmpi slt, %jit3A_26, %sign3A_39 : i32
    %sign3A_41 = arith.extui %sign3A_40 : i1 to i32
    %sign3A_42 = arith.subi %sign3A_38, %sign3A_41 : i32
    %ne3A = vector.broadcast %sign3A_42 : i32 to vector<16x128xi32>
    %ne3A_43 = arith.cmpi ne, %sign3A_35, %ne3A : vector<16x128xi32>
    %rem3A = vector.broadcast %jit3A_26 : i32 to vector<16x128xi32>
    %rem3A_44 = arith.remsi %iota3A_25, %rem3A : vector<16x128xi32>
    %ne3A_45 = arith.constant 0 : i32
    %ne3A_46 = vector.broadcast %ne3A_45 : i32 to vector<16x128xi32>
    %ne3A_47 = arith.cmpi ne, %rem3A_44, %ne3A_46 : vector<16x128xi32>
    %and3A = arith.andi %ne3A_43, %ne3A_47 : vector<16x128xi1>
    %sub3A = arith.constant 1 : i32
    %sub3A_48 = vector.broadcast %sub3A : i32 to vector<16x128xi32>
    %sub3A_49 = arith.subi %div3A_27, %sub3A_48 : vector<16x128xi32>
    %select_n3A_50 = arith.select %and3A, %sub3A_49, %div3A_27 : vector<16x128xi1>, vector<16x128xi32>
    %jit3A_51 = arith.constant 16 : i32
    %eq3A_52 = arith.constant 0 : i32
    %eq3A_53 = arith.cmpi eq, %jit3A_51, %eq3A_52 : i32
    %jit3A_54 = arith.constant 1 : i32
    %select_n3A_55 = arith.select %eq3A_53, %jit3A_54, %jit3A_51 : i32
    %rem3A_56 = vector.broadcast %select_n3A_55 : i32 to vector<16x128xi32>
    %rem3A_57 = arith.remsi %select_n3A_50, %rem3A_56 : vector<16x128xi32>
    %ne3A_58 = arith.constant 0 : i32
    %ne3A_59 = vector.broadcast %ne3A_58 : i32 to vector<16x128xi32>
    %ne3A_60 = arith.cmpi ne, %rem3A_57, %ne3A_59 : vector<16x128xi32>
    %lt3A = arith.constant 0 : i32
    %lt3A_61 = vector.broadcast %lt3A : i32 to vector<16x128xi32>
    %lt3A_62 = arith.cmpi slt, %rem3A_57, %lt3A_61 : vector<16x128xi32>
    %lt3A_63 = arith.constant 0 : i32
    %lt3A_64 = arith.cmpi slt, %select_n3A_55, %lt3A_63 : i32
    %ne3A_65 = vector.broadcast %lt3A_64 : i1 to vector<16x128xi1>
    %ne3A_66 = vector.broadcast %ne3A_65 : vector<16x128xi1> to vector<16x128xi1>
    %ne3A_67 = arith.xori %lt3A_62, %ne3A_66 : vector<16x128xi1>
    %and3A_68 = arith.andi %ne3A_67, %ne3A_60 : vector<16x128xi1>
    %add3A_69 = vector.broadcast %select_n3A_55 : i32 to vector<16x128xi32>
    %add3A_70 = arith.addi %rem3A_57, %add3A_69 : vector<16x128xi32>
    %select_n3A_71 = arith.select %and3A_68, %add3A_70, %rem3A_57 : vector<16x128xi1>, vector<16x128xi32>
    %eq3A_72 = arith.cmpi eq, %select_n3A_71, %iota3A_24 : vector<16x128xi32>
    %convert_element_type3A_73 = arith.extui %eq3A_72 : vector<16x128xi1> to vector<16x128xi32>
    %convert_element_type3A_74 = arith.sitofp %convert_element_type3A_73 : vector<16x128xi32> to vector<16x128xf32>
    %get3A_75 = arith.constant 0 : index
    %get3A_76 = arith.constant 0 : index
    %get3A_77 = vector.load %arg12[%get3A_75, %get3A_76] : memref<128x128xf32, #tpu.memory_space<vmem>>, vector<128x128xf32>
    %dot_general3A_78 = arith.constant dense<0.000000e+00> : vector<2048x128xf32>
    %dot_general3A_79 = tpu.matmul %get3A_3, %get3A_77, %dot_general3A_78 {dimension_numbers = #tpu.dot_dimension_numbers<[1], [0], [0], [1], [0, 0, 1, 1], [], []>, transpose_lhs_hint = false} : vector<2048x128xf32>, vector<128x128xf32>, vector<2048x128xf32> -> vector<2048x128xf32>
    %dot_general3A_80 = arith.constant dense<0.000000e+00> : vector<2048x128xf32>
    %dot_general3A_81 = tpu.matmul %select_n3A, %convert_element_type3A_74, %dot_general3A_80 {dimension_numbers = #tpu.dot_dimension_numbers<[1], [0], [0], [1], [0, 0, 1, 1], [], []>, transpose_lhs_hint = false} : vector<2048x16xf32>, vector<16x128xf32>, vector<2048x128xf32> -> vector<2048x128xf32>
    %exp3A = math.exp %dot_general3A_79 : vector<2048x128xf32>
    %mul3A = arith.mulf %dot_general3A_81, %exp3A : vector<2048x128xf32>
    %get3A_82 = arith.constant 0 : index
    %get3A_83 = arith.constant 0 : index
    %get3A_84 = vector.load %arg13[%get3A_82, %get3A_83] : memref<1x128xf32, #tpu.memory_space<vmem>>, vector<1x128xf32>
    %reduce_sum3A = arith.constant dense<0.000000e+00> : vector<128xf32>
    %reduce_sum3A_85 = vector.multi_reduction <add>, %mul3A, %reduce_sum3A [0] : vector<2048x128xf32> to vector<128xf32>
    %broadcast_in_dim3A_86 = vector.shape_cast %reduce_sum3A_85 : vector<128xf32> to vector<1x128xf32>
    %add3A_87 = arith.addf %get3A_84, %broadcast_in_dim3A_86 : vector<1x128xf32>
    %swap3A = arith.constant 0 : index
    %swap3A_88 = arith.constant 0 : index
    %swap3A_89 = vector.load %arg13[%swap3A, %swap3A_88] : memref<1x128xf32, #tpu.memory_space<vmem>>, vector<1x128xf32>
    tpu.vector_store %arg13[%swap3A, %swap3A_88], %add3A_87 {strides = array<i32>} : memref<1x128xf32, #tpu.memory_space<vmem>>, vector<1x128xf32>,
    %get3A_90 = arith.constant 0 : index
    %get3A_91 = arith.constant 0 : index
    %get3A_92 = vector.load %arg14[%get3A_90, %get3A_91] : memref<128x128xf32, #tpu.memory_space<vmem>>, vector<128x128xf32>
    %dot_general3A_93 = arith.constant dense<0.000000e+00> : vector<128x128xf32>
    %dot_general3A_94 = tpu.matmul %mul3A, %get3A_3, %dot_general3A_93 {dimension_numbers = #tpu.dot_dimension_numbers<[0], [0], [1], [1], [0, 1, 1, 1], [], []>, transpose_lhs_hint = false} : vector<2048x128xf32>, vector<2048x128xf32>, vector<128x128xf32> -> vector<128x128xf32>
    %add3A_95 = arith.addf %get3A_92, %dot_general3A_94 : vector<128x128xf32>
    %swap3A_96 = arith.constant 0 : index
    %swap3A_97 = arith.constant 0 : index
    %swap3A_98 = vector.load %arg14[%swap3A_96, %swap3A_97] : memref<128x128xf32, #tpu.memory_space<vmem>>, vector<128x128xf32>
    tpu.vector_store %arg14[%swap3A_96, %swap3A_97], %add3A_95 {strides = array<i32>} : memref<128x128xf32, #tpu.memory_space<vmem>>, vector<128x128xf32>,
    %eq3A_99 = arith.constant 7 : i32
    %eq3A_100 = arith.cmpi eq, %arg0, %eq3A_99 : i32
    %convert_element_type3A_101 = arith.extui %eq3A_100 : i1 to i32
    %cond3A_102 = arith.constant 0 : i32
    %cond3A_103 = arith.cmpi ne, %convert_element_type3A_101, %cond3A_102 : i32
    scf.if %cond3A_103 {
      %get3A_104 = arith.constant 0 : index
      %get3A_105 = arith.constant 0 : index
      %get3A_106 = vector.load %arg13[%get3A_104, %get3A_105] : memref<1x128xf32, #tpu.memory_space<vmem>>, vector<1x128xf32>
      %swap3A_107 = arith.constant 0 : index
      %swap3A_108 = arith.constant 0 : index
      %swap3A_109 = vector.load %arg10[%swap3A_107, %swap3A_108] : memref<1x128xf32, #tpu.memory_space<vmem>>, vector<1x128xf32>
      tpu.vector_store %arg10[%swap3A_107, %swap3A_108], %get3A_106 {strides = array<i32>} : memref<1x128xf32, #tpu.memory_space<vmem>>, vector<1x128xf32>,
      %get3A_110 = arith.constant 0 : index
      %get3A_111 = arith.constant 0 : index
      %get3A_112 = vector.load %arg14[%get3A_110, %get3A_111] : memref<128x128xf32, #tpu.memory_space<vmem>>, vector<128x128xf32>
      %swap3A_113 = arith.constant 0 : index
      %swap3A_114 = arith.constant 0 : index
      %swap3A_115 = vector.load %arg11[%swap3A_113, %swap3A_114] : memref<128x128xf32, #tpu.memory_space<vmem>>, vector<128x128xf32>
      tpu.vector_store %arg11[%swap3A_113, %swap3A_114], %get3A_112 {strides = array<i32>} : memref<128x128xf32, #tpu.memory_space<vmem>>, vector<128x128xf32>,
    } else {
    }
    return
  }
  func.func @transform_0(%arg0: i32) -> (i32, i32) {
    %c0_i32 = arith.constant 0 : i32
    %c0_i32_0 = arith.constant 0 : i32
    return %arg0, %c0_i32 : i32, i32
  }
  func.func @transform_1(%arg0: i32) -> (i32, i32, i32) {
    %c0_i32 = arith.constant 0 : i32
    %c0_i32_0 = arith.constant 0 : i32
    %c0_i32_1 = arith.constant 0 : i32
    return %arg0, %c0_i32, %c0_i32_0 : i32, i32, i32
  }
  func.func @transform_2(%arg0: i32) -> (i32, i32, i32) {
    %c0_i32 = arith.constant 0 : i32
    %c0_i32_0 = arith.constant 0 : i32
    %c0_i32_1 = arith.constant 0 : i32
    return %arg0, %c0_i32, %c0_i32_0 : i32, i32, i32
  }
  func.func @transform_3(%arg0: i32) -> (i32, i32) {
    %c0_i32 = arith.constant 0 : i32
    %c0_i32_0 = arith.constant 0 : i32
    %c0_i32_1 = arith.constant 0 : i32
    return %c0_i32, %c0_i32_0 : i32, i32
  }
  func.func @transform_4(%arg0: i32) -> (i32, i32) {
    %c0_i32 = arith.constant 0 : i32
    %c0_i32_0 = arith.constant 0 : i32
    %c0_i32_1 = arith.constant 0 : i32
    return %c0_i32, %c0_i32_0 : i32, i32
  }
  func.func @transform_5(%arg0: i32) -> (i32, i32) {
    %c0_i32 = arith.constant 0 : i32
    %c0_i32_0 = arith.constant 0 : i32
    %c0_i32_1 = arith.constant 0 : i32
    return %c0_i32, %c0_i32_0 : i32, i32
  }
  func.func @transform_6(%arg0: i32) -> (i32, i32) {
    %c0_i32 = arith.constant 0 : i32
    %c0_i32_0 = arith.constant 0 : i32
    %c0_i32_1 = arith.constant 0 : i32
    return %c0_i32, %c0_i32_0 : i32, i32
  }
  func.func @transform_7(%arg0: i32) -> (i32, i32) {
    %c0_i32 = arith.constant 0 : i32
    %c0_i32_0 = arith.constant 0 : i32
    %c0_i32_1 = arith.constant 0 : i32
    return %c0_i32, %c0_i32_0 : i32, i32
  }
  func.func @transform_8(%arg0: i32) -> (i32, i32) {
    %c0_i32 = arith.constant 0 : i32
    %c0_i32_0 = arith.constant 0 : i32
    %c0_i32_1 = arith.constant 0 : i32
    return %c0_i32, %c0_i32_0 : i32, i32
  }
  func.func @transform_9(%arg0: i32) -> (i32, i32) {
    %c0_i32 = arith.constant 0 : i32
    %c0_i32_0 = arith.constant 0 : i32
    %c0_i32_1 = arith.constant 0 : i32
    return %c0_i32, %c0_i32_0 : i32, i32
  }
  func.func @transform_10(%arg0: i32) -> (i32, i32) {
    %c0_i32 = arith.constant 0 : i32
    %c0_i32_0 = arith.constant 0 : i32
    %c0_i32_1 = arith.constant 0 : i32
    return %c0_i32, %c0_i32_0 : i32, i32
  }
}

</mosaic_0001>

<sc_bundles>
// kernel: kernel.6.cloned.1.call-start
scs
__scs_entry_jumppad:
0x0: {  	(pc) =	sbr.rel $0x88, $3  }
0x1: {  	(tag) =	ssettag $0x0;
	lr =	simm.s32 $0x1  }
0x2: {  	[smem:$0x3F89] =	sst lr;
	_ =	strace $0xD0000000  }
0x3: {  	_ = 	snop  }
0x4: {  	_ = 	snop  }
0x5: {  	_ = 	snop  }
0x6: {  	_ = 	snop  }
0x7: {  	_ = 	snop  }
__scs_overlays_trampoline_lowered:
0x8: {  	[smem:$0x3F98] =	sst s0  }
0x9: {  	[smem:$0x3F99] =	sst s1  }
0xa: {  	[smem:$0x3F9A] =	sst s2  }
0xb: {  	[smem:$0x3F9B] =	sst s3  }
0xc: {  	[smem:$0x3F9C] =	sst s4  }
0xd: {  	[smem:$0x3F9D] =	sst s5  }
0xe: {  	[smem:$0x3F9E] =	sst s6  }
0xf: {  	[smem:$0x3F9F] =	sst s7  }
0x10: {  	[smem:$0x3FA0] =	sst s8  }
0x11: {  	[smem:$0x3FA1] =	sst s9;
	s0 =	simm.s32 @!p0 $0x0  }
0x12: {  	s1 =	sld [smem:$0x3F87];
	s0 =	simm.s32 @p0 $0x1  }
0x13: {  	[smem:$0x3FA2] =	sst s0;
	s0 =	simm.s32 @!p1 $0x0  }
0x14: {  	s2 =	sld [smem:$0x3F86];
	s0 =	simm.s32 @p1 $0x1  }
0x15: {  	[smem:$0x3FA3] =	sst s0;
	s0 =	simm.s32 @!p2 $0x0  }
0x16: {  	s3 =	sld [smem:$0x3FDB];
	s0 =	simm.s32 @p2 $0x1  }
0x17: {  	s4 =	simm.s32 $0x1BF5;
	[smem:$0x3FA5] =	sst s0  }
0x18: {  	s0 =	sld [smem:$0x3F88];
	_ =	swait.ge [sflag:s4], $0x0  }
0x19: {  	s7 =	sld [smem:$0x3F89]  }
0x1a: {  	s8 =	sadd.s32 $0xFFFFE003, lr  }
0x1b: {  	s9 =	sadd.s32 $0xFFFFFEF7, lr;
	s5 =	simm.s32 $0xFFFFFFFF;
	p2 =	slt.u32 s8, $0xFFFFF086  }
0x1c: {  	p1 =	slt.u32 s9, $0xF7A;
	s5 =	simm.s32 @!p2 $0x0  }
0x1d: {  	s5 =	simm.s32 @p1 $0x1;
	p0 =	seq.s32 s7, s2  }
0x1e: {  	s7 =	smul.u32 @!p0 $0xF7A, s2;
	p2 =	seq.s32 @!p0 s5, $0x0  }
0x1f: {  	s9 =	smul.u32 $0xF7A, s1;
	s8 =	simm.s32 @!p0 $0x1BF5;
	p2 =	por !p2, p0  }
0x20: {  	[sflag:s8] =	ssyncset.s32 @!p0 $0xFFFFF086;
	s6 =	sadd.s32 @!p0 s3, s7;
	s7 =	simm.s32 @!p0 $0x108  }
0x21: {  	s3 =	sadd.s32 s3, s9;
	s6 =	sadd.s32 @!p0 $0x88, s6;
	s7 =	simm.s32 @p2 $0x1082  }
0x22: {  	[simem:s7], [sflag:s8] =	dma.local @!p0 [hbm:s6], $0xF7A  }
0x23: {  	s9 =	sor.u32 $0xD0000000, s2;
	s6 =	simm.s32 $0x108;
	_ =	swait.ge @!p0 [sflag:s8], $0x0  }
0x24: {  	s3 =	sadd.s32 $0x88, s3;
	s6 =	simm.s32 @!p1 $0x1082;
	[sflag:s4] =	ssyncset.s32 $0xFFFFF086  }
0x25: {  	[simem:s6], [sflag:s4] =	dma.local [hbm:s3], $0xF7A  }
0x26: {  	[smem:$0x3F89] =	sst s1;
	(tag) =	ssettag s2;
	_ =	strace s9  }
0x27: {  	s1 =	sld [smem:$0x3F99]  }
0x28: {  	s2 =	sld [smem:$0x3F9A]  }
0x29: {  	s4 =	sld [smem:$0x3F9C]  }
0x2a: {  	p0 =	seq.s32 s5, $0x0;
	s5 =	sld [smem:$0x3F9D]  }
0x2b: {  	s6 =	sld [smem:$0x3F9E]  }
0x2c: {  	s7 =	sld [smem:$0x3F9F]  }
0x2d: {  	s3 =	simm.s32 $0x108;
	s8 =	sld [smem:$0x3FA0]  }
0x2e: {  	s3 =	simm.s32 @!p0 $0x1082;
	s9 =	sld [smem:$0x3FA1]  }
0x2f: {  	lr =	sadd.s32 s0, s3;
	s0 =	sld [smem:$0x3F98]  }
0x30: {  	s3 =	sld [smem:$0x3F9B]  }
0x31: {  	[smem:$0x3FA4] =	sst s10  }
0x32: {  	s10 =	sld [smem:$0x3FA2];
	_ =	sdelay $0x3  }
0x33: {  	p0 =	seq.s32 s10, $0x1;
	s10 =	sld [smem:$0x3FA4];
	_ =	sdelay $0x3  }
0x34: {  	[smem:$0x3FA4] =	sst s10  }
0x35: {  	s10 =	sld [smem:$0x3FA3];
	_ =	sdelay $0x3  }
0x36: {  	p1 =	seq.s32 s10, $0x1;
	s10 =	sld [smem:$0x3FA4];
	_ =	sdelay $0x3  }
0x37: {  	[smem:$0x3FA4] =	sst s10  }
0x38: {  	s10 =	sld [smem:$0x3FA5]  }
0x39: {  	_ = 	snop;
	(pc) =	sbr.ind lr, $3  }
0x3a: {  	_ = 	snop  }
0x3b: {  	_ = 	snop  }
0x3c: {  	p2 =	seq.s32 s10, $0x1;
	s10 =	sld [smem:$0x3FA4]  }
0x3d: {  	_ =	shalt  }
0x3e: {  	_ =	shalt  }
0x3f: {  	_ =	shalt  }
0x40: {  	_ =	shalt  }
0x41: {  	_ =	shalt  }
0x42: {  	_ =	shalt  }
0x43: {  	_ =	shalt  }
0x44: {  	_ =	shalt  }
0x45: {  	_ =	shalt  }
0x46: {  	_ =	shalt  }
0x47: {  	_ =	shalt  }
0x48: {  	_ =	shalt  }
0x49: {  	_ =	shalt  }
0x4a: {  	_ =	shalt  }
0x4b: {  	_ =	shalt  }
0x4c: {  	_ =	shalt  }
0x4d: {  	_ =	shalt  }
0x4e: {  	_ =	shalt  }
0x4f: {  	_ =	shalt  }
0x50: {  	_ =	shalt  }
0x51: {  	_ =	shalt  }
0x52: {  	_ =	shalt  }
0x53: {  	_ =	shalt  }
0x54: {  	_ =	shalt  }
0x55: {  	_ =	shalt  }
0x56: {  	_ =	shalt  }
0x57: {  	_ =	shalt  }
0x58: {  	_ =	shalt  }
0x59: {  	_ =	shalt  }
0x5a: {  	_ =	shalt  }
0x5b: {  	_ =	shalt  }
0x5c: {  	_ =	shalt  }
0x5d: {  	_ =	shalt  }
0x5e: {  	_ =	shalt  }
0x5f: {  	_ =	shalt  }
0x60: {  	_ =	shalt  }
0x61: {  	_ =	shalt  }
0x62: {  	_ =	shalt  }
0x63: {  	_ =	shalt  }
0x64: {  	_ =	shalt  }
0x65: {  	_ =	shalt  }
0x66: {  	_ =	shalt  }
0x67: {  	_ =	shalt  }
0x68: {  	_ =	shalt  }
0x69: {  	_ =	shalt  }
0x6a: {  	_ =	shalt  }
0x6b: {  	_ =	shalt  }
0x6c: {  	_ =	shalt  }
0x6d: {  	_ =	shalt  }
0x6e: {  	_ =	shalt  }
0x6f: {  	_ =	shalt  }
0x70: {  	_ =	shalt  }
0x71: {  	_ =	shalt  }
0x72: {  	_ =	shalt  }
0x73: {  	_ =	shalt  }
0x74: {  	_ =	shalt  }
0x75: {  	_ =	shalt  }
0x76: {  	_ =	shalt  }
0x77: {  	_ =	shalt  }
0x78: {  	_ =	shalt  }
0x79: {  	_ =	shalt  }
0x7a: {  	_ =	shalt  }
0x7b: {  	_ =	shalt  }
0x7c: {  	_ =	shalt  }
0x7d: {  	_ =	shalt  }
0x7e: {  	_ =	shalt  }
0x7f: {  	_ =	shalt  }
0x80: {  	_ =	shalt  }
0x81: {  	_ =	shalt  }
0x82: {  	_ =	shalt  }
0x83: {  	_ =	shalt  }
0x84: {  	_ =	shalt  }
0x85: {  	_ =	shalt  }
0x86: {  	_ =	shalt  }
0x87: {  	_ =	shalt  }
.Lfunc_end0:
.L_simem_size_0:
called_computation_lowered:
.L_overlay_start_0:
0x88: {  	s2 =	sld [smem:$0x3FD9]  }
0x89: {  	s3 =	sld [smem:$0x3FFE];
	_ =	sdelay $0x1  }
0x8a: {  	s1 =	srdreg.scid  }
0x8b: {  	s0 =	sand.u32 $0x1, s1  }
0x8c: {  	s17 =	sshll.u32 s0, $0xA;
	s2 =	sadd.s32 s3, s2  }
0x8d: {  	s2 =	sadd.s32 s2, s17  }
0x8e: {  	[smem:$0x3FB0] =	sst s2  }
0x8f: {  	_ = 	snop  }
0x90: {  	s2 =	sld [smem:$0x3FC9]  }
0x91: {  	s18 =	sld [smem:$0x3FC8];
	(tm) =	ssettm $0x1  }
0x92: {  	s4 =	sld [smem:$0x3FFB];
	_ =	sdelay $0x3  }
0x93: {  	_ =	strace s4  }
0x94: {  	s4 =	sld [smem:$0x3FFC];
	_ =	sdelay $0x3  }
0x95: {  	_ =	strace s4  }
0x96: {  	s4 =	sld [smem:$0x3FFD];
	_ =	sdelay $0x3  }
0x97: {  	_ =	strace s4  }
0x98: {  	_ =	strace $0x8FFFFFFF  }
0x99: {  	s19 =	sld [smem:$0x3FDB];
	_ =	sdelay $0x1  }
0x9a: {  	s5 =	simm.s32 $_scs_section_size  }
0x9b: {  	s6 =	simm.s32 $_size__tile_overlayer_lowered;
	s7 =	simm.s32 $_tile_overlayer_lowered  }
0x9c: {  	s22 =	simm.s32 $0x1BFF;
	s21 =	sshll.u32 s7, $0x1;
	s4 =	sadd.s32 s5, s19  }
0x9d: {  	s8 =	simm.s32 $0x0;
	s20 =	sshll.u32 s6, $0x1;
	s6 =	sadd.s32 s21, s4  }
0x9e: {  	[timem:s8], [sflag:s22] =	dma.local [hbm:s6], s20  }
0x9f: {  	_ =	swait.ge [sflag:s22], s20  }
0xa0: {  	s5 =	ssub.s32 $0x0, s20;
	[sflag:s22] =	ssyncset.done $0x0  }
0xa1: {  	[sflag:s22] =	ssyncadd.s32 s5;
	_ =	sdelay $0x1  }
0xa2: {  	s23 =	simm.s32 $0x1B8B  }
0xa3: {  	_ =	swait.ge [sflag:s23], $0x1  }
0xa4: {  	[sflag:s23] =	ssyncset.done $0x0  }
0xa5: {  	s25 =	simm.s32 $0x1B8E;
	s24 =	sld [smem:$0x3FFE];
	[sflag:s23] =	ssyncadd.s32 $0xFFFFFFFF  }
0xa6: {  	s26 =	simm.s32 $execute0_lowered;
	[smem:$0x3FD2] =	sst s25  }
0xa7: {  	s6 =	sshll.u32 s26, $0x1;
	_ =	strace $0x80000046;
	[dreg:$0x1] =	wrdreg $0xFFFFFFFF  }
0xa8: {  	s28 =	simm.s32 $_size_execute0_lowered;
	s4 =	sadd.s32 s4, s6;
	[dreg:$0x0] =	wrdreg $0x0  }
0xa9: {  	s6 =	sshll.u32 s28, $0x1;
	[dreg:$0x2] =	wrdreg s4  }
0xaa: {  	[dreg:$0x3] =	wrdreg s6  }
0xab: {  	[dreg:$0x4] =	wrdreg $0xC0  }
0xac: {  	_ =	task [dreg:s8], $0x5FFFF  }
0xad: {  	[dreg:$0x1] =	wrdreg $0xFFFFFFFF  }
0xae: {  	[dreg:$0x0] =	wrdreg $0x60  }
0xaf: {  	[dreg:$0x2] =	wrdreg s2  }
0xb0: {  	[dreg:$0x3] =	wrdreg s24  }
0xb1: {  	[dreg:$0x4] =	wrdreg s18  }
0xb2: {  	[dreg:$0x5] =	wrdreg $0x9  }
0xb3: {  	_ =	task.clear_ibuf [dreg:s8], $0x6FFFF;
	_ =	strace $0x90000046  }
0xb4: {  	s29 =	simm.s32 $0x9;
	_ =	strace $0x80000048  }
0xb5: {  	_ =	swait.ge [sflag:s29], $0x1  }
0xb6: {  	[sflag:s29] =	ssyncadd.s32 $0xFFFFFFFF  }
0xb7: {  	_ =	strace $0x90000048  }
0xb8: {  	_ =	sfence  }
0xb9: {  	s30 =	sld [smem:$0x0];
	_ =	sdelay $0x2  }
0xba: {  	s31 =	sshll.u32 s1, $0xD;
	s1 =	sshrl.u32 s1, $0x2  }
0xbb: {  	s3 =	sand.u32 $0x4000, s31;
	s1 =	sadd.s32 s1, s30  }
0xbc: {  	s0 =	sor.u32 s3, s0;
	s1 =	sshll.u32 s1, $0x11  }
0xbd: {  	s0 =	sor.u32 s1, s0  }
0xbe: {  	s0 =	sadd.s32 $0x8F2B, s0  }
0xbf: {  	[sflag:s0] =	ssyncadd.remote.s32 $0x1  }
0xc0: {  	_ =	sfence.sel $0xFFFF  }
0xc1: {  	[dreg:$0x0] =	wrdreg $0xFFFFFFFF;
	(pc) =	sbr.abs _section_cstart, $3  }
0xc2: {  	[dreg:$0x1] =	wrdreg $0xFFFFFFFF  }
0xc3: {  	_ =	task.clear_ibuf [dreg:s8], $0x2FFFF;
	_ =	strace $0x9FFFFFFF  }
0xc4: {  	(tm) =	ssettm $0x7FFFFFFF  }
0xc5: {  	_ =	shalt  }
tec
execute0_lowered:
.L_overlay_start_1:
0x0: {  	(tag) =	ssettag $0x1  }
0x1: {  	s3 =	rddreg [dreg:$0x0]  }
0x2: {  	s4 =	rddreg [dreg:$0x1]  }
0x3: {  	s15 =	rddreg [dreg:$0x2]  }
0x4: {  	s0 =	rddreg [dreg:$0x3];
	s1 =	srdreg.scid;
	s2 =	simm.s32 $0x0  }
0x5: {  	s20 =	simm.s32 $0x5;
	s5 =	sand.u32 $0x1, s1;
	s1 =	stileid.u32  }
0x6: {  	s12 =	simm.s32 $0x80;
	s13 =	simm.s32 $0x1;
	s7 =	sshll.u32 s1, $0x1  }
0x7: {  	s6 =	sshll.u32 s5, $0x6;
	s7 =	sor.u32 s5, s7;
	s5 =	ssub.s32 $0x2, s5  }
0x8: {  	s18 =	simm.s32 $0x100;
	s11 =	simm.s32 $0x2;
	s10 =	sshrl.u32 s5, $0x1  }
0x9: {  	s16 =	simm.s32 $0x180;
	p1 =	por $0x0, $0x0;
	s30 =	ssub.s32 s5, s10  }
0xa: {  	[smem:$0x7FF] =	sst s2;
	s19 =	sadd.s32 $0x44A00, s4;
	s31 =	smax.u32 s30, $0x1  }
0xb: {  	_ =	strace $0x80000047;
	s9 =	sshll.u32 s1, $0x7;
	s28 =	sadd.s32 $0xFFFFFFFF, s31  }
0xc: {  	s6 =	sadd.s32 s6, s4;
	s8 =	sshll.u32 s7, $0xD;
	p2 =	sne.s32 s28, $0x0  }
.Ltmp0:
0xd: {  	s6 =	sadd.s32 s9, s6;
	p0 =	sne.s32 s7, $0x0;
	(pc) =	sbr.rel @!p2 .LBB2_3-.Ltmp0, $4  }
0xe: {  	s9 =	simm.s32 $0x200;
	s7 =	simm.s32 $0x4200;
	s8 =	sadd.s32 s8, s4  }
0xf: {  	s17 =	sadd.s32 $0x4200, s6;
	s6 =	simm.s32 $0x3;
	s22 =	simm.s32 @!p0 $0x0  }
0x10: {  	s21 =	simm.s32 @!p0 $0x5;
	s14 =	sadd.s32 $0x4A00, s8;
	s10 =	sadd.s32 $0x5200, s8  }
0x11: {  	s5 =	sadd.s32 $0x5A00, s8;
	s4 =	sadd.s32 $0x6200, s8;
	s8 =	simm.s32 $0x4  }
0x12: {  	s23 =	simm.s32 @!p0 $0x8200  }
0x13: {  	[tilespmem:s23], [sflag:$0x5] =	stream.linear.gather @!p0 [hbm4b:s15+s22], $0x80, $0x38;
	[tilespmem:$0x8A80] =	vst v63  }
0x14: {  	_ =	swait.ge @!p0 [sflag:s21], $0x80  }
0x15: {  	s24 =	simm.s32 @!p0 $0x1;
	[sflag:s21] =	ssyncset.done @!p0 $0x0  }
0x16: {  	s25 =	simm.s32 @!p0 $0x10;
	s26 =	simm.s32 @!p0 $0x8280;
	[sflag:s21] =	ssyncadd.s32 @!p0 $0xFFFFFF80  }
0x17: {  	[tilespmem:s26], [sflag:$0x1] =	stream.indirect.gather @!p0 [hbm4b:s3+s25], $0x80, s23, s25, $0xb8;
	[tilespmem:$0x8A80] =	vst v63  }
0x18: {  	_ =	swait.ge @!p0 [sflag:s24], $0x800  }
0x19: {  	[sflag:s24] =	ssyncset.done @!p0 $0x0  }
0x1a: {  	[sflag:s24] =	ssyncadd.s32 @!p0 $0xFFFFF800  }
0x1b: {  	[hbm4b:s19+s22] =	stream.linear.scatter @!p0 [tilespmem:s26], [sflag:$0x5], $0x800, $0x38;
	[tilespmem:$0x8A80] =	vst v63  }
0x1c: {  	_ =	swait.ge @!p0 [sflag:s21], $0x800  }
0x1d: {  	[sflag:s21] =	ssyncset.done @!p0 $0x0  }
0x1e: {  	[sflag:s21] =	ssyncadd.s32 @!p0 $0xFFFFF800  }
0x1f: {  	[tilespmem:s2], [sflag:$0x5] =	stream.linear.gather [hbm4b:s17+s2], $0x200, $0x38;
	[tilespmem:$0x8A80] =	vst v63  }
0x20: {  	_ =	swait.ge [sflag:s20], $0x200  }
0x21: {  	[sflag:s20] =	ssyncset.done $0x0  }
0x22: {  	[sflag:s20] =	ssyncadd.s32 $0xFFFFFE00  }
0x23: {  	[tilespmem:s9], [sflag:$0x1] =	stream.indirect.gather [hbm4b:s3+s12], $0x80, s2, s12, $0xb8;
	[tilespmem:$0x8A80] =	vst v63  }
0x24: {  	_ = 	snop  }
0x25: {  	[tilespmem:s7], [sflag:$0x2] =	stream.indirect.gather [hbm4b:s3+s12], $0x80, s12, s12, $0xb8;
	[tilespmem:$0x8A80] =	vst v63  }
0x26: {  	_ =	swait.ge [sflag:s13], $0x4000  }
0x27: {  	[sflag:s13] =	ssyncset.done $0x0  }
0x28: {  	[sflag:s13] =	ssyncadd.s32 $0xFFFFC000  }
0x29: {  	[hbm4b:s14+s2] =	stream.linear.scatter [tilespmem:s9], [sflag:$0x3], $0x4000, $0x38;
	[tilespmem:$0x8A80] =	vst v63  }
0x2a: {  	_ =	swait.ge [sflag:s6], $0x4000  }
0x2b: {  	[sflag:s6] =	ssyncset.done $0x0  }
0x2c: {  	[sflag:s6] =	ssyncadd.s32 $0xFFFFC000  }
0x2d: {  	[tilespmem:s9], [sflag:$0x1] =	stream.indirect.gather [hbm4b:s3+s12], $0x80, s18, s12, $0xb8;
	[tilespmem:$0x8A80] =	vst v63  }
0x2e: {  	_ =	swait.ge [sflag:s11], $0x4000  }
0x2f: {  	[sflag:s11] =	ssyncset.done $0x0  }
0x30: {  	[sflag:s11] =	ssyncadd.s32 $0xFFFFC000  }
0x31: {  	[hbm4b:s10+s2] =	stream.linear.scatter [tilespmem:s7], [sflag:$0x4], $0x4000, $0x38;
	[tilespmem:$0x8A80] =	vst v63  }
0x32: {  	_ =	swait.ge [sflag:s8], $0x4000  }
0x33: {  	[sflag:s8] =	ssyncset.done $0x0  }
0x34: {  	[sflag:s8] =	ssyncadd.s32 $0xFFFFC000  }
0x35: {  	[tilespmem:s7], [sflag:$0x2] =	stream.indirect.gather [hbm4b:s3+s12], $0x80, s16, s12, $0xb8;
	[tilespmem:$0x8A80] =	vst v63  }
0x36: {  	_ =	swait.ge [sflag:s13], $0x4000  }
0x37: {  	[sflag:s13] =	ssyncset.done $0x0  }
0x38: {  	[sflag:s13] =	ssyncadd.s32 $0xFFFFC000  }
0x39: {  	[hbm4b:s5+s2] =	stream.linear.scatter [tilespmem:s9], [sflag:$0x3], $0x4000, $0x38;
	[tilespmem:$0x8A80] =	vst v63  }
0x3a: {  	_ =	swait.ge [sflag:s11], $0x4000  }
0x3b: {  	s28 =	sadd.s32 $0xFFFFFFFF, s28;
	[sflag:s11] =	ssyncset.done $0x0  }
0x3c: {  	p2 =	sne.s32 s28, $0x0;
	[sflag:s11] =	ssyncadd.s32 $0xFFFFC000  }
0x3d: {  	[hbm4b:s4+s2] =	stream.linear.scatter [tilespmem:s7], [sflag:$0x4], $0x4000, $0x38;
	[tilespmem:$0x8A80] =	vst v63  }
.Ltmp1:
0x3e: {  	_ =	swait.ge [sflag:s6], $0x4000;
	(pc) =	sbr.rel @!p2 .LBB2_3-.Ltmp1, $4  }
0x3f: {  	[sflag:s6] =	ssyncset.done $0x0  }
0x40: {  	[sflag:s6] =	ssyncadd.s32 $0xFFFFC000  }
0x41: {  	_ =	swait.ge [sflag:s8], $0x4000  }
0x42: {  	p1 =	por $0x1, $0x1;
	[sflag:s8] =	ssyncset.done $0x0  }
.LBB2_2:
0x43: {  	s29 =	simm.s32 @!p0 $0x0;
	[sflag:s8] =	ssyncadd.s32 $0xFFFFC000  }
0x44: {  	[tilespmem:s23], [sflag:$0x5] =	stream.linear.gather @!p0 [hbm4b:s15+s22], $0x80, $0x38;
	[tilespmem:$0x8A80] =	vst v63  }
0x45: {  	s28 =	sadd.s32 $0xFFFFFFFF, s28;
	_ =	swait.ge @!p0 [sflag:s21], $0x80  }
0x46: {  	p2 =	sne.s32 s28, $0x0;
	[sflag:s21] =	ssyncset.done @!p0 $0x0  }
0x47: {  	[sflag:s21] =	ssyncadd.s32 @!p0 $0xFFFFFF80  }
0x48: {  	[tilespmem:s26], [sflag:$0x1] =	stream.indirect.gather @!p0 [hbm4b:s3+s25], $0x80, s23, s25, $0xb8;
	[tilespmem:$0x8A80] =	vst v63  }
0x49: {  	_ =	swait.ge @!p0 [sflag:s24], $0x800  }
0x4a: {  	[sflag:s24] =	ssyncset.done @!p0 $0x0  }
0x4b: {  	[sflag:s24] =	ssyncadd.s32 @!p0 $0xFFFFF800  }
0x4c: {  	[hbm4b:s19+s22] =	stream.linear.scatter @!p0 [tilespmem:s26], [sflag:$0x5], $0x800, $0x38;
	[tilespmem:$0x8A80] =	vst v63  }
0x4d: {  	s22 =	smov.u32 s29;
	_ =	swait.ge @!p0 [sflag:s21], $0x800  }
0x4e: {  	[sflag:s21] =	ssyncset.done @!p0 $0x0  }
0x4f: {  	[sflag:s21] =	ssyncadd.s32 @!p0 $0xFFFFF800  }
0x50: {  	[tilespmem:s2], [sflag:$0x5] =	stream.linear.gather [hbm4b:s17+s2], $0x200, $0x38;
	[tilespmem:$0x8A80] =	vst v63  }
0x51: {  	_ =	swait.ge [sflag:s20], $0x200  }
0x52: {  	[sflag:s20] =	ssyncset.done $0x0  }
0x53: {  	[sflag:s20] =	ssyncadd.s32 $0xFFFFFE00  }
0x54: {  	[tilespmem:s9], [sflag:$0x1] =	stream.indirect.gather [hbm4b:s3+s12], $0x80, s2, s12, $0xb8;
	[tilespmem:$0x8A80] =	vst v63  }
0x55: {  	_ = 	snop  }
0x56: {  	[tilespmem:s7], [sflag:$0x2] =	stream.indirect.gather [hbm4b:s3+s12], $0x80, s12, s12, $0xb8;
	[tilespmem:$0x8A80] =	vst v63  }
0x57: {  	_ =	swait.ge [sflag:s13], $0x4000  }
0x58: {  	[sflag:s13] =	ssyncset.done $0x0  }
0x59: {  	[sflag:s13] =	ssyncadd.s32 $0xFFFFC000  }
0x5a: {  	[hbm4b:s14+s2] =	stream.linear.scatter [tilespmem:s9], [sflag:$0x3], $0x4000, $0x38;
	[tilespmem:$0x8A80] =	vst v63  }
0x5b: {  	_ =	swait.ge [sflag:s6], $0x4000  }
0x5c: {  	[sflag:s6] =	ssyncset.done $0x0  }
0x5d: {  	[sflag:s6] =	ssyncadd.s32 $0xFFFFC000  }
0x5e: {  	[tilespmem:s9], [sflag:$0x1] =	stream.indirect.gather [hbm4b:s3+s12], $0x80, s18, s12, $0xb8;
	[tilespmem:$0x8A80] =	vst v63  }
0x5f: {  	_ =	swait.ge [sflag:s11], $0x4000  }
0x60: {  	[sflag:s11] =	ssyncset.done $0x0  }
0x61: {  	[sflag:s11] =	ssyncadd.s32 $0xFFFFC000  }
0x62: {  	[hbm4b:s10+s2] =	stream.linear.scatter [tilespmem:s7], [sflag:$0x4], $0x4000, $0x38;
	[tilespmem:$0x8A80] =	vst v63  }
0x63: {  	_ =	swait.ge [sflag:s8], $0x4000  }
0x64: {  	[sflag:s8] =	ssyncset.done $0x0  }
0x65: {  	[sflag:s8] =	ssyncadd.s32 $0xFFFFC000  }
0x66: {  	[tilespmem:s7], [sflag:$0x2] =	stream.indirect.gather [hbm4b:s3+s12], $0x80, s16, s12, $0xb8;
	[tilespmem:$0x8A80] =	vst v63  }
0x67: {  	_ =	swait.ge [sflag:s13], $0x4000  }
0x68: {  	[sflag:s13] =	ssyncset.done $0x0  }
0x69: {  	[sflag:s13] =	ssyncadd.s32 $0xFFFFC000  }
0x6a: {  	[hbm4b:s5+s2] =	stream.linear.scatter [tilespmem:s9], [sflag:$0x3], $0x4000, $0x38;
	[tilespmem:$0x8A80] =	vst v63  }
0x6b: {  	_ =	swait.ge [sflag:s11], $0x4000  }
0x6c: {  	[sflag:s11] =	ssyncset.done $0x0  }
0x6d: {  	[sflag:s11] =	ssyncadd.s32 $0xFFFFC000  }
0x6e: {  	[hbm4b:s4+s2] =	stream.linear.scatter [tilespmem:s7], [sflag:$0x4], $0x4000, $0x38;
	[tilespmem:$0x8A80] =	vst v63  }
.Ltmp2:
0x6f: {  	_ =	swait.ge [sflag:s6], $0x4000;
	(pc) =	sbr.rel @p2 .LBB2_2-.Ltmp2, $4  }
0x70: {  	[sflag:s6] =	ssyncset.done $0x0  }
0x71: {  	[sflag:s6] =	ssyncadd.s32 $0xFFFFC000  }
0x72: {  	_ =	swait.ge [sflag:s8], $0x4000  }
0x73: {  	[sflag:s8] =	ssyncset.done $0x0  }
.LBB2_3:
0x74: {  	s23 =	simm.s32 @!p0 $0x8200;
	[sflag:s8] =	ssyncadd.s32 @p1 $0xFFFFC000  }
0x75: {  	[tilespmem:s23], [sflag:$0x5] =	stream.linear.gather @!p0 [hbm4b:s15+s22], $0x80, $0x38;
	[tilespmem:$0x8A80] =	vst v63  }
0x76: {  	_ =	swait.ge @!p0 [sflag:s21], $0x80  }
0x77: {  	s24 =	simm.s32 @!p0 $0x10;
	[sflag:s21] =	ssyncset.done @!p0 $0x0  }
0x78: {  	s25 =	simm.s32 @!p0 $0x8280;
	s15 =	simm.s32 @!p0 $0x1;
	[sflag:s21] =	ssyncadd.s32 @!p0 $0xFFFFFF80  }
0x79: {  	[tilespmem:s25], [sflag:$0x1] =	stream.indirect.gather @!p0 [hbm4b:s3+s24], $0x80, s23, s24, $0xb8;
	[tilespmem:$0x8A80] =	vst v63  }
0x7a: {  	_ =	swait.ge @!p0 [sflag:s15], $0x800  }
0x7b: {  	[sflag:s15] =	ssyncset.done @!p0 $0x0  }
0x7c: {  	[sflag:s15] =	ssyncadd.s32 @!p0 $0xFFFFF800  }
0x7d: {  	[hbm4b:s19+s22] =	stream.linear.scatter @!p0 [tilespmem:s25], [sflag:$0x5], $0x800, $0x38;
	[tilespmem:$0x8A80] =	vst v63  }
0x7e: {  	_ =	swait.ge @!p0 [sflag:s21], $0x800  }
0x7f: {  	[sflag:s21] =	ssyncset.done @!p0 $0x0  }
0x80: {  	[sflag:s21] =	ssyncadd.s32 @!p0 $0xFFFFF800  }
0x81: {  	[tilespmem:s2], [sflag:$0x5] =	stream.linear.gather [hbm4b:s17+s2], $0x200, $0x38;
	[tilespmem:$0x8A80] =	vst v63  }
0x82: {  	_ =	swait.ge [sflag:s20], $0x200  }
0x83: {  	[sflag:s20] =	ssyncset.done $0x0  }
0x84: {  	[sflag:s20] =	ssyncadd.s32 $0xFFFFFE00  }
0x85: {  	[tilespmem:s9], [sflag:$0x1] =	stream.indirect.gather [hbm4b:s3+s12], $0x80, s2, s12, $0xb8;
	[tilespmem:$0x8A80] =	vst v63  }
0x86: {  	_ = 	snop  }
0x87: {  	[tilespmem:s7], [sflag:$0x2] =	stream.indirect.gather [hbm4b:s3+s12], $0x80, s12, s12, $0xb8;
	[tilespmem:$0x8A80] =	vst v63  }
0x88: {  	_ =	swait.ge [sflag:s13], $0x4000  }
0x89: {  	[sflag:s13] =	ssyncset.done $0x0  }
0x8a: {  	[sflag:s13] =	ssyncadd.s32 $0xFFFFC000  }
0x8b: {  	[hbm4b:s14+s2] =	stream.linear.scatter [tilespmem:s9], [sflag:$0x3], $0x4000, $0x38;
	[tilespmem:$0x8A80] =	vst v63  }
0x8c: {  	_ =	swait.ge [sflag:s6], $0x4000  }
0x8d: {  	[sflag:s6] =	ssyncset.done $0x0  }
0x8e: {  	[sflag:s6] =	ssyncadd.s32 $0xFFFFC000  }
0x8f: {  	[tilespmem:s9], [sflag:$0x1] =	stream.indirect.gather [hbm4b:s3+s12], $0x80, s18, s12, $0xb8;
	[tilespmem:$0x8A80] =	vst v63  }
0x90: {  	_ =	swait.ge [sflag:s11], $0x4000  }
0x91: {  	[sflag:s11] =	ssyncset.done $0x0  }
0x92: {  	[sflag:s11] =	ssyncadd.s32 $0xFFFFC000  }
0x93: {  	[hbm4b:s10+s2] =	stream.linear.scatter [tilespmem:s7], [sflag:$0x4], $0x4000, $0x38;
	[tilespmem:$0x8A80] =	vst v63  }
0x94: {  	_ =	swait.ge [sflag:s8], $0x4000  }
0x95: {  	[sflag:s8] =	ssyncset.done $0x0  }
0x96: {  	[sflag:s8] =	ssyncadd.s32 $0xFFFFC000  }
0x97: {  	[tilespmem:s7], [sflag:$0x2] =	stream.indirect.gather [hbm4b:s3+s12], $0x80, s16, s12, $0xb8;
	[tilespmem:$0x8A80] =	vst v63  }
0x98: {  	_ =	swait.ge [sflag:s13], $0x4000  }
0x99: {  	[sflag:s13] =	ssyncset.done $0x0  }
0x9a: {  	[sflag:s13] =	ssyncadd.s32 $0xFFFFC000  }
0x9b: {  	[hbm4b:s5+s2] =	stream.linear.scatter [tilespmem:s9], [sflag:$0x3], $0x4000, $0x38;
	[tilespmem:$0x8A80] =	vst v63  }
0x9c: {  	_ =	swait.ge [sflag:s11], $0x4000  }
0x9d: {  	[sflag:s11] =	ssyncset.done $0x0  }
0x9e: {  	[sflag:s11] =	ssyncadd.s32 $0xFFFFC000  }
0x9f: {  	[hbm4b:s4+s2] =	stream.linear.scatter [tilespmem:s7], [sflag:$0x4], $0x4000, $0x38;
	[tilespmem:$0x8A80] =	vst v63  }
0xa0: {  	_ =	swait.ge [sflag:s6], $0x4000  }
0xa1: {  	[sflag:s6] =	ssyncset.done $0x0  }
0xa2: {  	[sflag:s6] =	ssyncadd.s32 $0xFFFFC000  }
0xa3: {  	_ =	swait.ge [sflag:s8], $0x4000  }
0xa4: {  	[sflag:s8] =	ssyncset.done $0x0  }
0xa5: {  	[sflag:s8] =	ssyncadd.s32 $0xFFFFC000  }
0xa6: {  	_ =	sfence.sel $0x180000  }
0xa7: {  	[bflag:$0x0] =	sbarrier.arrive $0xFFFF  }
0xa8: {  	p0 =	sne.s32 s1, $0x0;
	_ =	strace $0x90000047  }
0xa9: {  	s0 =	sadd.s32 @!p0 $0x100000, s0;
	[bflag:$0x2] =	sbarrier.arrive $0xFFFF  }
0xaa: {  	[sflag:s0] =	ssyncadd.tile.s32 @!p0 $0x1;
	_ =	shalt  }
.Lfunc_end2:
_tile_overlayer_lowered:
.L_overlay_start_2:
0xab: {  	(tag) =	ssettag $0x2  }
0xac: {  	s0 =	rddreg [dreg:$0x0];
	s2 =	stileid.u32  }
0xad: {  	s1 =	rddreg [dreg:$0x1];
	p0 =	sne.s32 s2, $0x0  }
0xae: {  	s3 =	rddreg [dreg:$0x2];
	[bflag:$0x3] =	sbarrier.arrive $0xFFFF;
	s2 =	simm.s32 @!p0 $0x1C05  }
0xaf: {  	[timem:s3], [sflag:s2] =	dma.local @!p0 [hbm:s0], s1  }
0xb0: {  	s0 =	simm.s32 @!p0 $0x5  }
0xb1: {  	_ =	swait.ge @!p0 [sflag:s0], s1  }
0xb2: {  	s1 =	ssub.s32 @!p0 $0x0, s1;
	[sflag:s0] =	ssyncset.done @!p0 $0x0  }
0xb3: {  	[sflag:s0] =	ssyncadd.s32 @!p0 s1  }
0xb4: {  	[bflag:$0x3] =	sbarrier.arrive $0xFFFF  }
0xb5: {  	_ =	shalt  }

// kernel: kernel.9.cloned.1.call-start
scs
__scs_entry_jumppad:
0x0: {  	(pc) =	sbr.rel $0x88, $3  }
0x1: {  	(tag) =	ssettag $0x0;
	lr =	simm.s32 $0x1  }
0x2: {  	[smem:$0x3F89] =	sst lr;
	_ =	strace $0xD0000000  }
0x3: {  	_ = 	snop  }
0x4: {  	_ = 	snop  }
0x5: {  	_ = 	snop  }
0x6: {  	_ = 	snop  }
0x7: {  	_ = 	snop  }
__scs_overlays_trampoline_lowered:
0x8: {  	[smem:$0x3F98] =	sst s0  }
0x9: {  	[smem:$0x3F99] =	sst s1  }
0xa: {  	[smem:$0x3F9A] =	sst s2  }
0xb: {  	[smem:$0x3F9B] =	sst s3  }
0xc: {  	[smem:$0x3F9C] =	sst s4  }
0xd: {  	[smem:$0x3F9D] =	sst s5  }
0xe: {  	[smem:$0x3F9E] =	sst s6  }
0xf: {  	[smem:$0x3F9F] =	sst s7  }
0x10: {  	[smem:$0x3FA0] =	sst s8  }
0x11: {  	[smem:$0x3FA1] =	sst s9;
	s0 =	simm.s32 @!p0 $0x0  }
0x12: {  	s1 =	sld [smem:$0x3F87];
	s0 =	simm.s32 @p0 $0x1  }
0x13: {  	[smem:$0x3FA2] =	sst s0;
	s0 =	simm.s32 @!p1 $0x0  }
0x14: {  	s2 =	sld [smem:$0x3F86];
	s0 =	simm.s32 @p1 $0x1  }
0x15: {  	[smem:$0x3FA3] =	sst s0;
	s0 =	simm.s32 @!p2 $0x0  }
0x16: {  	s3 =	sld [smem:$0x3FDB];
	s0 =	simm.s32 @p2 $0x1  }
0x17: {  	s4 =	simm.s32 $0x1BF5;
	[smem:$0x3FA5] =	sst s0  }
0x18: {  	s0 =	sld [smem:$0x3F88];
	_ =	swait.ge [sflag:s4], $0x0  }
0x19: {  	s7 =	sld [smem:$0x3F89]  }
0x1a: {  	s8 =	sadd.s32 $0xFFFFE003, lr  }
0x1b: {  	s9 =	sadd.s32 $0xFFFFFEF7, lr;
	s5 =	simm.s32 $0xFFFFFFFF;
	p2 =	slt.u32 s8, $0xFFFFF086  }
0x1c: {  	p1 =	slt.u32 s9, $0xF7A;
	s5 =	simm.s32 @!p2 $0x0  }
0x1d: {  	s5 =	simm.s32 @p1 $0x1;
	p0 =	seq.s32 s7, s2  }
0x1e: {  	s7 =	smul.u32 @!p0 $0xF7A, s2;
	p2 =	seq.s32 @!p0 s5, $0x0  }
0x1f: {  	s9 =	smul.u32 $0xF7A, s1;
	s8 =	simm.s32 @!p0 $0x1BF5;
	p2 =	por !p2, p0  }
0x20: {  	[sflag:s8] =	ssyncset.s32 @!p0 $0xFFFFF086;
	s6 =	sadd.s32 @!p0 s3, s7;
	s7 =	simm.s32 @!p0 $0x108  }
0x21: {  	s3 =	sadd.s32 s3, s9;
	s6 =	sadd.s32 @!p0 $0x88, s6;
	s7 =	simm.s32 @p2 $0x1082  }
0x22: {  	[simem:s7], [sflag:s8] =	dma.local @!p0 [hbm:s6], $0xF7A  }
0x23: {  	s9 =	sor.u32 $0xD0000000, s2;
	s6 =	simm.s32 $0x108;
	_ =	swait.ge @!p0 [sflag:s8], $0x0  }
0x24: {  	s3 =	sadd.s32 $0x88, s3;
	s6 =	simm.s32 @!p1 $0x1082;
	[sflag:s4] =	ssyncset.s32 $0xFFFFF086  }
0x25: {  	[simem:s6], [sflag:s4] =	dma.local [hbm:s3], $0xF7A  }
0x26: {  	[smem:$0x3F89] =	sst s1;
	(tag) =	ssettag s2;
	_ =	strace s9  }
0x27: {  	s1 =	sld [smem:$0x3F99]  }
0x28: {  	s2 =	sld [smem:$0x3F9A]  }
0x29: {  	s4 =	sld [smem:$0x3F9C]  }
0x2a: {  	p0 =	seq.s32 s5, $0x0;
	s5 =	sld [smem:$0x3F9D]  }
0x2b: {  	s6 =	sld [smem:$0x3F9E]  }
0x2c: {  	s7 =	sld [smem:$0x3F9F]  }
0x2d: {  	s3 =	simm.s32 $0x108;
	s8 =	sld [smem:$0x3FA0]  }
0x2e: {  	s3 =	simm.s32 @!p0 $0x1082;
	s9 =	sld [smem:$0x3FA1]  }
0x2f: {  	lr =	sadd.s32 s0, s3;
	s0 =	sld [smem:$0x3F98]  }
0x30: {  	s3 =	sld [smem:$0x3F9B]  }
0x31: {  	[smem:$0x3FA4] =	sst s10  }
0x32: {  	s10 =	sld [smem:$0x3FA2];
	_ =	sdelay $0x3  }
0x33: {  	p0 =	seq.s32 s10, $0x1;
	s10 =	sld [smem:$0x3FA4];
	_ =	sdelay $0x3  }
0x34: {  	[smem:$0x3FA4] =	sst s10  }
0x35: {  	s10 =	sld [smem:$0x3FA3];
	_ =	sdelay $0x3  }
0x36: {  	p1 =	seq.s32 s10, $0x1;
	s10 =	sld [smem:$0x3FA4];
	_ =	sdelay $0x3  }
0x37: {  	[smem:$0x3FA4] =	sst s10  }
0x38: {  	s10 =	sld [smem:$0x3FA5]  }
0x39: {  	_ = 	snop;
	(pc) =	sbr.ind lr, $3  }
0x3a: {  	_ = 	snop  }
0x3b: {  	_ = 	snop  }
0x3c: {  	p2 =	seq.s32 s10, $0x1;
	s10 =	sld [smem:$0x3FA4]  }
0x3d: {  	_ =	shalt  }
0x3e: {  	_ =	shalt  }
0x3f: {  	_ =	shalt  }
0x40: {  	_ =	shalt  }
0x41: {  	_ =	shalt  }
0x42: {  	_ =	shalt  }
0x43: {  	_ =	shalt  }
0x44: {  	_ =	shalt  }
0x45: {  	_ =	shalt  }
0x46: {  	_ =	shalt  }
0x47: {  	_ =	shalt  }
0x48: {  	_ =	shalt  }
0x49: {  	_ =	shalt  }
0x4a: {  	_ =	shalt  }
0x4b: {  	_ =	shalt  }
0x4c: {  	_ =	shalt  }
0x4d: {  	_ =	shalt  }
0x4e: {  	_ =	shalt  }
0x4f: {  	_ =	shalt  }
0x50: {  	_ =	shalt  }
0x51: {  	_ =	shalt  }
0x52: {  	_ =	shalt  }
0x53: {  	_ =	shalt  }
0x54: {  	_ =	shalt  }
0x55: {  	_ =	shalt  }
0x56: {  	_ =	shalt  }
0x57: {  	_ =	shalt  }
0x58: {  	_ =	shalt  }
0x59: {  	_ =	shalt  }
0x5a: {  	_ =	shalt  }
0x5b: {  	_ =	shalt  }
0x5c: {  	_ =	shalt  }
0x5d: {  	_ =	shalt  }
0x5e: {  	_ =	shalt  }
0x5f: {  	_ =	shalt  }
0x60: {  	_ =	shalt  }
0x61: {  	_ =	shalt  }
0x62: {  	_ =	shalt  }
0x63: {  	_ =	shalt  }
0x64: {  	_ =	shalt  }
0x65: {  	_ =	shalt  }
0x66: {  	_ =	shalt  }
0x67: {  	_ =	shalt  }
0x68: {  	_ =	shalt  }
0x69: {  	_ =	shalt  }
0x6a: {  	_ =	shalt  }
0x6b: {  	_ =	shalt  }
0x6c: {  	_ =	shalt  }
0x6d: {  	_ =	shalt  }
0x6e: {  	_ =	shalt  }
0x6f: {  	_ =	shalt  }
0x70: {  	_ =	shalt  }
0x71: {  	_ =	shalt  }
0x72: {  	_ =	shalt  }
0x73: {  	_ =	shalt  }
0x74: {  	_ =	shalt  }
0x75: {  	_ =	shalt  }
0x76: {  	_ =	shalt  }
0x77: {  	_ =	shalt  }
0x78: {  	_ =	shalt  }
0x79: {  	_ =	shalt  }
0x7a: {  	_ =	shalt  }
0x7b: {  	_ =	shalt  }
0x7c: {  	_ =	shalt  }
0x7d: {  	_ =	shalt  }
0x7e: {  	_ =	shalt  }
0x7f: {  	_ =	shalt  }
0x80: {  	_ =	shalt  }
0x81: {  	_ =	shalt  }
0x82: {  	_ =	shalt  }
0x83: {  	_ =	shalt  }
0x84: {  	_ =	shalt  }
0x85: {  	_ =	shalt  }
0x86: {  	_ =	shalt  }
0x87: {  	_ =	shalt  }
.Lfunc_end0:
.L_simem_size_0:
called_computation.1_lowered:
.L_overlay_start_0:
0x88: {  	s2 =	sld [smem:$0x3FD9]  }
0x89: {  	s3 =	sld [smem:$0x3FFE];
	_ =	sdelay $0x1  }
0x8a: {  	s1 =	srdreg.scid  }
0x8b: {  	s0 =	sand.u32 $0x1, s1  }
0x8c: {  	s17 =	sshll.u32 s0, $0xA;
	s2 =	sadd.s32 s3, s2  }
0x8d: {  	s2 =	sadd.s32 s2, s17  }
0x8e: {  	[smem:$0x3FB0] =	sst s2  }
0x8f: {  	_ = 	snop  }
0x90: {  	s18 =	sld [smem:$0x3FC9];
	(tm) =	ssettm $0x1  }
0x91: {  	s19 =	sld [smem:$0x3FFB];
	_ =	sdelay $0x3  }
0x92: {  	_ =	strace s19  }
0x93: {  	s2 =	sld [smem:$0x3FFC];
	_ =	sdelay $0x3  }
0x94: {  	_ =	strace s2  }
0x95: {  	s2 =	sld [smem:$0x3FFD];
	_ =	sdelay $0x3  }
0x96: {  	_ =	strace s2  }
0x97: {  	_ =	strace $0x8FFFFFFF  }
0x98: {  	s20 =	sld [smem:$0x3FDB];
	_ =	sdelay $0x1  }
0x99: {  	s4 =	simm.s32 $_scs_section_size  }
0x9a: {  	s5 =	simm.s32 $_size__tile_overlayer_lowered;
	s6 =	simm.s32 $_tile_overlayer_lowered  }
0x9b: {  	s7 =	simm.s32 $0x1BFF;
	s21 =	sshll.u32 s6, $0x1;
	s4 =	sadd.s32 s4, s20  }
0x9c: {  	s22 =	simm.s32 $0x0;
	s5 =	sshll.u32 s5, $0x1;
	s6 =	sadd.s32 s21, s4  }
0x9d: {  	[timem:s22], [sflag:s7] =	dma.local [hbm:s6], s5  }
0x9e: {  	_ =	swait.ge [sflag:s7], s5  }
0x9f: {  	s5 =	ssub.s32 $0x0, s5;
	[sflag:s7] =	ssyncset.done $0x0  }
0xa0: {  	[sflag:s7] =	ssyncadd.s32 s5;
	_ =	sdelay $0x1  }
0xa1: {  	s23 =	simm.s32 $0x1B8B  }
0xa2: {  	_ =	swait.ge [sflag:s23], $0x1  }
0xa3: {  	[sflag:s23] =	ssyncset.done $0x0  }
0xa4: {  	[sflag:s23] =	ssyncadd.s32 $0xFFFFFFFF  }
0xa5: {  	s5 =	sld [smem:$0x0]  }
0xa6: {  	s6 =	sand.u32 $0xFFFFFFFE, s1  }
0xa7: {  	p0 =	sne.s32 s1, s6  }
0xa8: {  	s6 =	sshll.u32 @p0 s6, $0xE  }
0xa9: {  	s6 =	sadd.s32 @p0 $0x11B8D, s6;
	s7 =	sshll.u32 @p0 s5, $0x11  }
0xaa: {  	s6 =	sor.u32 @p0 s7, s6  }
0xab: {  	[sflag:s6] =	ssyncadd.remote.s32 @p0 $0x1;
	_ =	sdelay $0x1  }
0xac: {  	s6 =	simm.s32 @p0 $0x1B8D  }
0xad: {  	_ =	swait.eq @p0 [sflag:s6], $0x1  }
0xae: {  	[sflag:s6] =	ssyncadd.s32 @p0 $0xFFFFFFFF  }
0xaf: {  	s7 =	sshll.u32 @!p0 s1, $0xE  }
0xb0: {  	s7 =	sor.u32 @!p0 $0x4000, s7;
	s6 =	simm.s32 @!p0 $0x1B8D  }
0xb1: {  	s5 =	sshll.u32 @!p0 s5, $0x11;
	s7 =	sadd.s32 @!p0 $0x11B8D, s7;
	_ =	swait.eq @!p0 [sflag:s6], $0x1  }
0xb2: {  	s5 =	sor.u32 @!p0 s5, s7;
	[sflag:s6] =	ssyncadd.s32 @!p0 $0xFFFFFFFF  }
0xb3: {  	s25 =	simm.s32 $0x1B8E;
	s24 =	sld [smem:$0x3FFE];
	[sflag:s5] =	ssyncadd.remote.s32 @!p0 $0x1  }
0xb4: {  	s26 =	simm.s32 $execute0_lowered;
	[smem:$0x3FD2] =	sst s25  }
0xb5: {  	s6 =	sshll.u32 s26, $0x1;
	_ =	strace $0x80000049;
	[dreg:$0x1] =	wrdreg $0xFFFFFFFF  }
0xb6: {  	s28 =	simm.s32 $_size_execute0_lowered;
	s4 =	sadd.s32 s4, s6;
	[dreg:$0x0] =	wrdreg $0x0  }
0xb7: {  	s6 =	sshll.u32 s28, $0x1;
	[dreg:$0x2] =	wrdreg s4  }
0xb8: {  	[dreg:$0x3] =	wrdreg s6  }
0xb9: {  	[dreg:$0x4] =	wrdreg $0xC0  }
0xba: {  	_ =	task [dreg:s22], $0x5FFFF  }
0xbb: {  	[dreg:$0x1] =	wrdreg $0xFFFFFFFF  }
0xbc: {  	[dreg:$0x0] =	wrdreg $0x60  }
0xbd: {  	[dreg:$0x2] =	wrdreg s18  }
0xbe: {  	[dreg:$0x3] =	wrdreg s24  }
0xbf: {  	[dreg:$0x4] =	wrdreg $0xA  }
0xc0: {  	_ =	task.clear_ibuf [dreg:s22], $0x5FFFF;
	_ =	strace $0x90000049  }
0xc1: {  	s29 =	simm.s32 $0xA;
	_ =	strace $0x8000004B  }
0xc2: {  	_ =	swait.ge [sflag:s29], $0x1  }
0xc3: {  	[sflag:s29] =	ssyncadd.s32 $0xFFFFFFFF  }
0xc4: {  	_ =	strace $0x9000004B  }
0xc5: {  	_ =	sfence  }
0xc6: {  	s30 =	sld [smem:$0x0];
	_ =	sdelay $0x2  }
0xc7: {  	s31 =	sshll.u32 s1, $0xD;
	s1 =	sshrl.u32 s1, $0x2  }
0xc8: {  	s4 =	sand.u32 $0x4000, s31;
	s1 =	sadd.s32 s1, s30  }
0xc9: {  	s0 =	sor.u32 s4, s0;
	s1 =	sshll.u32 s1, $0x11  }
0xca: {  	s0 =	sor.u32 s1, s0  }
0xcb: {  	s0 =	sadd.s32 $0x8F2B, s0  }
0xcc: {  	[sflag:s0] =	ssyncadd.remote.s32 $0x1  }
0xcd: {  	_ =	sfence.sel $0xFFFF  }
0xce: {  	[dreg:$0x0] =	wrdreg $0xFFFFFFFF;
	(pc) =	sbr.abs _section_cstart, $3  }
0xcf: {  	[dreg:$0x1] =	wrdreg $0xFFFFFFFF  }
0xd0: {  	_ =	task.clear_ibuf [dreg:s22], $0x2FFFF;
	_ =	strace $0x9FFFFFFF  }
0xd1: {  	(tm) =	ssettm $0x7FFFFFFF  }
tec
execute0_lowered:
.L_overlay_start_1:
0x0: {  	(tag) =	ssettag $0x1  }
0x1: {  	s1 =	rddreg [dreg:$0x0];
	s0 =	srdreg.scid  }
0x2: {  	s10 =	rddreg [dreg:$0x1];
	s18 =	sand.u32 $0x1, s0  }
0x3: {  	s2 =	stileid.u32;
	s3 =	simm.s32 $0x0;
	s4 =	sshll.u32 s18, $0x6  }
0x4: {  	s0 =	rddreg [dreg:$0x2];
	s5 =	sshll.u32 s2, $0x7;
	s4 =	sadd.s32 s4, s10  }
0x5: {  	[smem:$0x7FF] =	sst s3;
	s4 =	sadd.s32 s5, s4  }
0x6: {  	_ =	strace $0x8000004A;
	s5 =	simm.s32 $0x5;
	s4 =	sadd.s32 $0x44C00, s4  }
0x7: {  	[tilespmem:s3], [sflag:$0x5] =	stream.linear.gather [hbm4b:s4+s3], $0x200, $0x38;
	[tilespmem:$0x8200] =	vst v63  }
0x8: {  	_ =	swait.ge [sflag:s5], $0x200  }
0x9: {  	s6 =	simm.s32 $0x80;
	[sflag:s5] =	ssyncset.done $0x0  }
0xa: {  	s7 =	simm.s32 $0x200;
	s8 =	simm.s32 $0x4200;
	[sflag:s5] =	ssyncadd.s32 $0xFFFFFE00  }
0xb: {  	[tilespmem:s7], [sflag:$0x1] =	stream.indirect.gather [hbm4b:s1+s6], $0x80, s3, s6, $0xb8;
	[tilespmem:$0x8200] =	vst v63  }
0xc: {  	s9 =	simm.s32 $0x1;
	s11 =	sshll.u32 s2, $0xE;
	s12 =	sshll.u32 s18, $0xD  }
0xd: {  	[tilespmem:s8], [sflag:$0x2] =	stream.indirect.gather [hbm4b:s1+s6], $0x80, s6, s6, $0xb8;
	[tilespmem:$0x8200] =	vst v63  }
0xe: {  	s11 =	sor.u32 s12, s11;
	_ =	swait.ge [sflag:s9], $0x4000  }
0xf: {  	s19 =	sadd.s32 s11, s10;
	[sflag:s9] =	ssyncset.done $0x0  }
0x10: {  	s11 =	simm.s32 $0x3;
	s10 =	sadd.s32 $0x45400, s19;
	[sflag:s9] =	ssyncadd.s32 $0xFFFFC000  }
0x11: {  	[hbm4b:s10+s3] =	stream.linear.scatter [tilespmem:s7], [sflag:$0x3], $0x4000, $0x38;
	[tilespmem:$0x8200] =	vst v63  }
0x12: {  	_ =	swait.ge [sflag:s11], $0x4000  }
0x13: {  	[sflag:s11] =	ssyncset.done $0x0  }
0x14: {  	s13 =	simm.s32 $0x2;
	s12 =	simm.s32 $0x100;
	[sflag:s11] =	ssyncadd.s32 $0xFFFFC000  }
0x15: {  	[tilespmem:s7], [sflag:$0x1] =	stream.indirect.gather [hbm4b:s1+s6], $0x80, s12, s6, $0xb8;
	[tilespmem:$0x8200] =	vst v63  }
0x16: {  	_ =	swait.ge [sflag:s13], $0x4000  }
0x17: {  	[sflag:s13] =	ssyncset.done $0x0  }
0x18: {  	s14 =	simm.s32 $0x4;
	s15 =	sadd.s32 $0x45C00, s19;
	[sflag:s13] =	ssyncadd.s32 $0xFFFFC000  }
0x19: {  	[hbm4b:s15+s3] =	stream.linear.scatter [tilespmem:s8], [sflag:$0x4], $0x4000, $0x38;
	[tilespmem:$0x8200] =	vst v63  }
0x1a: {  	_ =	swait.ge [sflag:s14], $0x4000  }
0x1b: {  	[sflag:s14] =	ssyncset.done $0x0  }
0x1c: {  	s16 =	simm.s32 $0x180;
	[sflag:s14] =	ssyncadd.s32 $0xFFFFC000  }
0x1d: {  	[tilespmem:s8], [sflag:$0x2] =	stream.indirect.gather [hbm4b:s1+s6], $0x80, s16, s6, $0xb8;
	[tilespmem:$0x8200] =	vst v63  }
0x1e: {  	_ =	swait.ge [sflag:s9], $0x4000  }
0x1f: {  	s20 =	ssub.s32 $0x2, s18;
	[sflag:s9] =	ssyncset.done $0x0  }
0x20: {  	s31 =	sshrl.u32 s20, $0x1;
	s17 =	sadd.s32 $0x46400, s19;
	[sflag:s9] =	ssyncadd.s32 $0xFFFFC000  }
0x21: {  	[hbm4b:s17+s3] =	stream.linear.scatter [tilespmem:s7], [sflag:$0x3], $0x4000, $0x38;
	[tilespmem:$0x8200] =	vst v63  }
0x22: {  	s18 =	sadd.s32 $0x46C00, s19;
	s19 =	ssub.s32 s20, s31;
	_ =	swait.ge [sflag:s13], $0x4000  }
0x23: {  	s19 =	smax.u32 s19, $0x1;
	[sflag:s13] =	ssyncset.done $0x0  }
0x24: {  	p0 =	sne.s32 s19, $0x1;
	[sflag:s13] =	ssyncadd.s32 $0xFFFFC000  }
0x25: {  	[hbm4b:s18+s3] =	stream.linear.scatter [tilespmem:s8], [sflag:$0x4], $0x4000, $0x38;
	[tilespmem:$0x8200] =	vst v63  }
.Ltmp0:
0x26: {  	_ =	swait.ge [sflag:s11], $0x4000;
	(pc) =	sbr.rel @!p0 .LBB2_2-.Ltmp0, $4  }
0x27: {  	[sflag:s11] =	ssyncset.done $0x0  }
0x28: {  	[sflag:s11] =	ssyncadd.s32 $0xFFFFC000  }
0x29: {  	_ =	swait.ge [sflag:s14], $0x4000  }
0x2a: {  	s19 =	sadd.s32 $0xFFFFFFFF, s19;
	[sflag:s14] =	ssyncset.done $0x0  }
.LBB2_1:
0x2b: {  	p0 =	sne.s32 s19, $0x1;
	s19 =	sadd.s32 $0xFFFFFFFF, s19;
	[sflag:s14] =	ssyncadd.s32 $0xFFFFC000  }
0x2c: {  	[tilespmem:s3], [sflag:$0x5] =	stream.linear.gather [hbm4b:s4+s3], $0x200, $0x38;
	[tilespmem:$0x8200] =	vst v63  }
0x2d: {  	_ =	swait.ge [sflag:s5], $0x200  }
0x2e: {  	[sflag:s5] =	ssyncset.done $0x0  }
0x2f: {  	[sflag:s5] =	ssyncadd.s32 $0xFFFFFE00  }
0x30: {  	[tilespmem:s7], [sflag:$0x1] =	stream.indirect.gather [hbm4b:s1+s6], $0x80, s3, s6, $0xb8;
	[tilespmem:$0x8200] =	vst v63  }
0x31: {  	_ = 	snop  }
0x32: {  	[tilespmem:s8], [sflag:$0x2] =	stream.indirect.gather [hbm4b:s1+s6], $0x80, s6, s6, $0xb8;
	[tilespmem:$0x8200] =	vst v63  }
0x33: {  	_ =	swait.ge [sflag:s9], $0x4000  }
0x34: {  	[sflag:s9] =	ssyncset.done $0x0  }
0x35: {  	[sflag:s9] =	ssyncadd.s32 $0xFFFFC000  }
0x36: {  	[hbm4b:s10+s3] =	stream.linear.scatter [tilespmem:s7], [sflag:$0x3], $0x4000, $0x38;
	[tilespmem:$0x8200] =	vst v63  }
0x37: {  	_ =	swait.ge [sflag:s11], $0x4000  }
0x38: {  	[sflag:s11] =	ssyncset.done $0x0  }
0x39: {  	[sflag:s11] =	ssyncadd.s32 $0xFFFFC000  }
0x3a: {  	[tilespmem:s7], [sflag:$0x1] =	stream.indirect.gather [hbm4b:s1+s6], $0x80, s12, s6, $0xb8;
	[tilespmem:$0x8200] =	vst v63  }
0x3b: {  	_ =	swait.ge [sflag:s13], $0x4000  }
0x3c: {  	[sflag:s13] =	ssyncset.done $0x0  }
0x3d: {  	[sflag:s13] =	ssyncadd.s32 $0xFFFFC000  }
0x3e: {  	[hbm4b:s15+s3] =	stream.linear.scatter [tilespmem:s8], [sflag:$0x4], $0x4000, $0x38;
	[tilespmem:$0x8200] =	vst v63  }
0x3f: {  	_ =	swait.ge [sflag:s14], $0x4000  }
0x40: {  	[sflag:s14] =	ssyncset.done $0x0  }
0x41: {  	[sflag:s14] =	ssyncadd.s32 $0xFFFFC000  }
0x42: {  	[tilespmem:s8], [sflag:$0x2] =	stream.indirect.gather [hbm4b:s1+s6], $0x80, s16, s6, $0xb8;
	[tilespmem:$0x8200] =	vst v63  }
0x43: {  	_ =	swait.ge [sflag:s9], $0x4000  }
0x44: {  	[sflag:s9] =	ssyncset.done $0x0  }
0x45: {  	[sflag:s9] =	ssyncadd.s32 $0xFFFFC000  }
0x46: {  	[hbm4b:s17+s3] =	stream.linear.scatter [tilespmem:s7], [sflag:$0x3], $0x4000, $0x38;
	[tilespmem:$0x8200] =	vst v63  }
0x47: {  	_ =	swait.ge [sflag:s13], $0x4000  }
0x48: {  	[sflag:s13] =	ssyncset.done $0x0  }
0x49: {  	[sflag:s13] =	ssyncadd.s32 $0xFFFFC000  }
0x4a: {  	[hbm4b:s18+s3] =	stream.linear.scatter [tilespmem:s8], [sflag:$0x4], $0x4000, $0x38;
	[tilespmem:$0x8200] =	vst v63  }
.Ltmp1:
0x4b: {  	_ =	swait.ge [sflag:s11], $0x4000;
	(pc) =	sbr.rel @p0 .LBB2_1-.Ltmp1, $4  }
0x4c: {  	[sflag:s11] =	ssyncset.done $0x0  }
0x4d: {  	[sflag:s11] =	ssyncadd.s32 $0xFFFFC000  }
0x4e: {  	_ =	swait.ge [sflag:s14], $0x4000  }
0x4f: {  	[sflag:s14] =	ssyncset.done $0x0  }
.LBB2_2:
0x50: {  	[sflag:s14] =	ssyncadd.s32 $0xFFFFC000  }
0x51: {  	_ =	sfence.sel $0x180000  }
0x52: {  	[bflag:$0x0] =	sbarrier.arrive $0xFFFF  }
0x53: {  	p0 =	sne.s32 s2, $0x0;
	_ =	strace $0x9000004A  }
0x54: {  	s0 =	sadd.s32 @!p0 $0x100000, s0;
	[bflag:$0x2] =	sbarrier.arrive $0xFFFF  }
0x55: {  	[sflag:s0] =	ssyncadd.tile.s32 @!p0 $0x1;
	_ =	shalt  }
.Lfunc_end2:
_tile_overlayer_lowered:
.L_overlay_start_2:
0x56: {  	(tag) =	ssettag $0x2  }
0x57: {  	s0 =	rddreg [dreg:$0x0];
	s2 =	stileid.u32  }
0x58: {  	s1 =	rddreg [dreg:$0x1];
	p0 =	sne.s32 s2, $0x0  }
0x59: {  	s3 =	rddreg [dreg:$0x2];
	[bflag:$0x3] =	sbarrier.arrive $0xFFFF;
	s2 =	simm.s32 @!p0 $0x1C05  }
0x5a: {  	[timem:s3], [sflag:s2] =	dma.local @!p0 [hbm:s0], s1  }
0x5b: {  	s0 =	simm.s32 @!p0 $0x5  }
0x5c: {  	_ =	swait.ge @!p0 [sflag:s0], s1  }
0x5d: {  	s1 =	ssub.s32 @!p0 $0x0, s1;
	[sflag:s0] =	ssyncset.done @!p0 $0x0  }
0x5e: {  	[sflag:s0] =	ssyncadd.s32 @!p0 s1  }
0x5f: {  	[bflag:$0x3] =	sbarrier.arrive $0xFFFF  }
0x60: {  	_ =	shalt  }

</sc_bundles>
